<compile_context>
chip_gen: v7x
topology: tpu7x:2x2x1
jax: 0.10.2.dev20260603
libtpu: 0.0.44.dev20260713+nightly
codegen_flags: <defaults>
</compile_context>

<pallas_src>
import functools

import jax
import jax.numpy as jnp
from jax import lax
from jax.experimental import pallas as pl
from jax.experimental.pallas import tpu as pltpu
from jax.experimental.pallas import tpu_sc as plsc


def _mesh_info():
    info = plsc.get_sparse_core_info()
    return info, plsc.VectorSubcoreMesh(core_axis_name="c", subcore_axis_name="s")


def _make_gather0(B, V, D, b_per_w, info, mesh):
    @functools.partial(
        pl.kernel,
        out_type=jax.ShapeDtypeStruct((B, D), jnp.float32),
        mesh=mesh,
        compiler_params=pltpu.CompilerParams(use_tc_tiling_on_sc=False),
        scratch_types=[
            pltpu.VMEM((b_per_w,), jnp.int32),
            pltpu.VMEM((b_per_w, D), jnp.float32),
            pltpu.SemaphoreType.DMA,
        ],
    )
    def run(idx_hbm, w_hbm, out_hbm, idx_v, rows_v, sem):
        wid = lax.axis_index("s") * info.num_cores + lax.axis_index("c")
        base = wid * b_per_w
        pltpu.sync_copy(idx_hbm.at[pl.ds(base, b_per_w)], idx_v)
        pltpu.async_copy(w_hbm.at[idx_v], rows_v, sem).wait()
        pltpu.sync_copy(rows_v, out_hbm.at[pl.ds(base, b_per_w)])

    return run


def _make_gather_add(B, V, D, b_per_w, info, mesh):
    @functools.partial(
        pl.kernel,
        out_type=jax.ShapeDtypeStruct((B, D), jnp.float32),
        mesh=mesh,
        compiler_params=pltpu.CompilerParams(use_tc_tiling_on_sc=False),
        scratch_types=[
            pltpu.VMEM((b_per_w,), jnp.int32),
            pltpu.VMEM((b_per_w, D), jnp.float32),
            pltpu.VMEM((b_per_w, D), jnp.float32),
            pltpu.SemaphoreType.DMA,
        ],
    )
    def run(idx_hbm, w_hbm, part_hbm, out_hbm, idx_v, rows_v, part_v, sem):
        wid = lax.axis_index("s") * info.num_cores + lax.axis_index("c")
        base = wid * b_per_w
        pltpu.sync_copy(idx_hbm.at[pl.ds(base, b_per_w)], idx_v)
        cp = pltpu.async_copy(w_hbm.at[idx_v], rows_v, sem)
        pltpu.sync_copy(part_hbm.at[pl.ds(base, b_per_w)], part_v)
        cp.wait()

        def add_rows(i, carry):
            for j in range(D // 16):
                sl = pl.ds(j * 16, 16)
                rows_v[i, sl] = rows_v[i, sl] + part_v[i, sl]
            return carry

        lax.fori_loop(0, b_per_w, add_rows, 0, unroll=8)
        pltpu.sync_copy(rows_v, out_hbm.at[pl.ds(base, b_per_w)])

    return run


def kernel(x, W0, W1):
    B = x.shape[0]
    V, D = W0.shape
    info, mesh = _mesh_info()
    NW = info.num_cores * info.num_subcores
    b_per_w = B // NW
    idx0 = x[:, 0].astype(jnp.int32)
    idx1 = x[:, 1].astype(jnp.int32)
    part = _make_gather0(B, V, D, b_per_w, info, mesh)(idx0, W0)
    return _make_gather_add(B, V, D, b_per_w, info, mesh)(idx1, W1, part)

# --- scband reference (transcript-rebuilt; emitter-appended) ---
"""Pipeline reference for scband-bottleneck-encoder-27135603376332 (READ-ONLY COPY).

The authoritative reference and input builder live on the scoring server;
editing this copy changes nothing except your own understanding.
"""

import jax, jax.numpy as jnp
import numpy as np

VOCAB = 1000001  # cfg.share.dim0 + 1
EMB_DIM = 64
BATCH = 16384


def setup_inputs(seed: int = 0) -> dict:
    key = jax.random.key(seed)
    k1, k2, k3 = jax.random.split(key, 3)
    x = jax.random.randint(k1, (BATCH, 2), 0, VOCAB)
    # xavier_uniform init per torch.nn.init.xavier_uniform_ on [VOCAB, EMB_DIM]
    bound = float(np.sqrt(6.0 / (VOCAB + EMB_DIM)))
    W0 = jax.random.uniform(k2, (VOCAB, EMB_DIM), minval=-bound, maxval=bound, dtype=jnp.float32)
    W1 = jax.random.uniform(k3, (VOCAB, EMB_DIM), minval=-bound, maxval=bound, dtype=jnp.float32)
    return {"x": x, "W0": W0, "W1": W1}


def reference(x, W0, W1):
    # BottleneckEncoder.forward: sum over per-column embedding lookups
    encoded = jnp.take(W0, x[:, 0], axis=0)
    encoded = encoded + jnp.take(W1, x[:, 1], axis=0)
    return encoded

if __name__ == "__main__":
    import jax
    _d = setup_inputs()
    print(jax.jit(kernel)(*tuple(_d.values())))

</pallas_src>

<mosaic_0001>
#map = affine_map<(d0, d1) -> (0)>
#map1 = affine_map<(d0, d1) -> (0, 0)>
module attributes {stable_mosaic.version = 14 : i64} {
  func.func @run(%arg0: i32, %arg1: i32, %arg2: memref<16384xi32, #tpu.memory_space<hbm>>, %arg3: memref<1000001x64xf32, #tpu.memory_space<hbm>>, %arg4: memref<16384x64xf32, #tpu.memory_space<hbm>>, %arg5: memref<512xi32, #tpu.memory_space<vmem>>, %arg6: memref<512x64xf32, #tpu.memory_space<vmem>>, %arg7: memref<!tpu.dma_semaphore, #tpu.memory_space<semaphore_mem>>) attributes {dimension_semantics = [#tpu.dimension_semantics<core_parallel>, #tpu.dimension_semantics<subcore_parallel>], iteration_bounds = array<i64: 2, 16>, scalar_prefetch = 0 : i64, scratch_operands = 3 : i64, tpu.core_type = #tpu.core_type<sc_vector_subcore>, window_params = [{transform_indices = #map}, {transform_indices = #map1}, {transform_indices = #map1}]} {
    %mul3A = arith.constant 2 : i32
    %mul3A_0 = arith.muli %arg1, %mul3A : i32
    %add3A = arith.addi %mul3A_0, %arg0 : i32
    %mul3A_1 = arith.constant 512 : i32
    %mul3A_2 = arith.muli %add3A, %mul3A_1 : i32
    "tpu.region"() ({
      %run_scoped3A = tpu.sem_alloc : memref<!tpu.dma_semaphore, #tpu.memory_space<semaphore_mem>>
      %dma_start3A_7 = tpu.memref_slice %arg2[%mul3A_2] : memref<16384xi32, #tpu.memory_space<hbm>> -> memref<512xi32, #tpu.memory_space<hbm>>
      %dma_start3A_8 = tpu.memref_slice %arg2[%mul3A_2] : memref<16384xi32, #tpu.memory_space<hbm>> -> memref<512xi32, #tpu.memory_space<hbm>>
      tpu.enqueue_dma source(%dma_start3A_8 : memref<512xi32, #tpu.memory_space<hbm>>) target(%arg5 : memref<512xi32, #tpu.memory_space<vmem>>) target_semaphore(%run_scoped3A : memref<!tpu.dma_semaphore, #tpu.memory_space<semaphore_mem>>)
      %dma_wait3A_9 = tpu.memref_slice %arg2[%mul3A_2] : memref<16384xi32, #tpu.memory_space<hbm>> -> memref<512xi32, #tpu.memory_space<hbm>>
      %dma_wait3A_10 = tpu.memref_slice %arg2[%mul3A_2] : memref<16384xi32, #tpu.memory_space<hbm>> -> memref<512xi32, #tpu.memory_space<hbm>>
      tpu.wait_dma2 semaphore(%run_scoped3A : memref<!tpu.dma_semaphore, #tpu.memory_space<semaphore_mem>>) src(%dma_wait3A_10 : memref<512xi32, #tpu.memory_space<hbm>>) dst(%arg5 : memref<512xi32, #tpu.memory_space<vmem>>)
      tpu.yield
    }) : () -> ()
    %dma_start3A = arith.constant 0 : i32
    %dma_start3A_3 = arith.constant 0 : i32
    %dma_start3A_4 = tpu.memref_slice %arg3[%dma_start3A, %dma_start3A_3] : memref<1000001x64xf32, #tpu.memory_space<hbm>> -> memref<1000001x64xf32, #tpu.memory_space<hbm>>
    tpu.enqueue_indirect_dma source(%dma_start3A_4 : memref<1000001x64xf32, #tpu.memory_space<hbm>>) target(%arg6 : memref<512x64xf32, #tpu.memory_space<vmem>>) offsets(%arg5 : memref<512xi32, #tpu.memory_space<vmem>>) semaphore(%arg7 : memref<!tpu.dma_semaphore, #tpu.memory_space<semaphore_mem>>)
    %dma_wait3A = arith.constant 0 : i32
    %dma_wait3A_5 = arith.constant 0 : i32
    %dma_wait3A_6 = tpu.memref_slice %arg3[%dma_wait3A, %dma_wait3A_5] : memref<1000001x64xf32, #tpu.memory_space<hbm>> -> memref<1000001x64xf32, #tpu.memory_space<hbm>>
    tpu.wait_indirect_dma semaphore(%arg7 : memref<!tpu.dma_semaphore, #tpu.memory_space<semaphore_mem>>) src(%dma_wait3A_6 : memref<1000001x64xf32, #tpu.memory_space<hbm>>) dst(%arg6 : memref<512x64xf32, #tpu.memory_space<vmem>>)
    "tpu.region"() ({
      %run_scoped3A = tpu.sem_alloc : memref<!tpu.dma_semaphore, #tpu.memory_space<semaphore_mem>>
      %dma_start3A_7 = arith.constant 0 : i32
      %dma_start3A_8 = tpu.memref_slice %arg4[%mul3A_2, %dma_start3A_7] : memref<16384x64xf32, #tpu.memory_space<hbm>> -> memref<512x64xf32, #tpu.memory_space<hbm>>
      %dma_start3A_9 = arith.constant 0 : i32
      %dma_start3A_10 = tpu.memref_slice %arg4[%mul3A_2, %dma_start3A_9] : memref<16384x64xf32, #tpu.memory_space<hbm>> -> memref<512x64xf32, #tpu.memory_space<hbm>>
      tpu.enqueue_dma source(%arg6 : memref<512x64xf32, #tpu.memory_space<vmem>>) target(%dma_start3A_10 : memref<512x64xf32, #tpu.memory_space<hbm>>) target_semaphore(%run_scoped3A : memref<!tpu.dma_semaphore, #tpu.memory_space<semaphore_mem>>)
      %dma_wait3A_11 = arith.constant 0 : i32
      %dma_wait3A_12 = tpu.memref_slice %arg4[%mul3A_2, %dma_wait3A_11] : memref<16384x64xf32, #tpu.memory_space<hbm>> -> memref<512x64xf32, #tpu.memory_space<hbm>>
      %dma_wait3A_13 = arith.constant 0 : i32
      %dma_wait3A_14 = tpu.memref_slice %arg4[%mul3A_2, %dma_wait3A_13] : memref<16384x64xf32, #tpu.memory_space<hbm>> -> memref<512x64xf32, #tpu.memory_space<hbm>>
      tpu.wait_dma2 semaphore(%run_scoped3A : memref<!tpu.dma_semaphore, #tpu.memory_space<semaphore_mem>>) src(%arg6 : memref<512x64xf32, #tpu.memory_space<vmem>>) dst(%dma_wait3A_14 : memref<512x64xf32, #tpu.memory_space<hbm>>)
      tpu.yield
    }) : () -> ()
    return
  }
}

#map = affine_map<(d0, d1) -> (0)>
#map1 = affine_map<(d0, d1) -> (0, 0)>
module attributes {stable_mosaic.version = 14 : i64} {
  func.func @run(%arg0: i32, %arg1: i32, %arg2: memref<16384xi32, #tpu.memory_space<hbm>>, %arg3: memref<1000001x64xf32, #tpu.memory_space<hbm>>, %arg4: memref<16384x64xf32, #tpu.memory_space<hbm>>, %arg5: memref<16384x64xf32, #tpu.memory_space<hbm>>, %arg6: memref<512xi32, #tpu.memory_space<vmem>>, %arg7: memref<512x64xf32, #tpu.memory_space<vmem>>, %arg8: memref<512x64xf32, #tpu.memory_space<vmem>>, %arg9: memref<!tpu.dma_semaphore, #tpu.memory_space<semaphore_mem>>) attributes {dimension_semantics = [#tpu.dimension_semantics<core_parallel>, #tpu.dimension_semantics<subcore_parallel>], iteration_bounds = array<i64: 2, 16>, scalar_prefetch = 0 : i64, scratch_operands = 4 : i64, tpu.core_type = #tpu.core_type<sc_vector_subcore>, window_params = [{transform_indices = #map}, {transform_indices = #map1}, {transform_indices = #map1}, {transform_indices = #map1}]} {
    %mul3A = arith.constant 2 : i32
    %mul3A_0 = arith.muli %arg1, %mul3A : i32
    %add3A = arith.addi %mul3A_0, %arg0 : i32
    %mul3A_1 = arith.constant 512 : i32
    %mul3A_2 = arith.muli %add3A, %mul3A_1 : i32
    "tpu.region"() ({
      %run_scoped3A = tpu.sem_alloc : memref<!tpu.dma_semaphore, #tpu.memory_space<semaphore_mem>>
      %dma_start3A_12 = tpu.memref_slice %arg2[%mul3A_2] : memref<16384xi32, #tpu.memory_space<hbm>> -> memref<512xi32, #tpu.memory_space<hbm>>
      %dma_start3A_13 = tpu.memref_slice %arg2[%mul3A_2] : memref<16384xi32, #tpu.memory_space<hbm>> -> memref<512xi32, #tpu.memory_space<hbm>>
      tpu.enqueue_dma source(%dma_start3A_13 : memref<512xi32, #tpu.memory_space<hbm>>) target(%arg6 : memref<512xi32, #tpu.memory_space<vmem>>) target_semaphore(%run_scoped3A : memref<!tpu.dma_semaphore, #tpu.memory_space<semaphore_mem>>)
      %dma_wait3A_14 = tpu.memref_slice %arg2[%mul3A_2] : memref<16384xi32, #tpu.memory_space<hbm>> -> memref<512xi32, #tpu.memory_space<hbm>>
      %dma_wait3A_15 = tpu.memref_slice %arg2[%mul3A_2] : memref<16384xi32, #tpu.memory_space<hbm>> -> memref<512xi32, #tpu.memory_space<hbm>>
      tpu.wait_dma2 semaphore(%run_scoped3A : memref<!tpu.dma_semaphore, #tpu.memory_space<semaphore_mem>>) src(%dma_wait3A_15 : memref<512xi32, #tpu.memory_space<hbm>>) dst(%arg6 : memref<512xi32, #tpu.memory_space<vmem>>)
      tpu.yield
    }) : () -> ()
    %dma_start3A = arith.constant 0 : i32
    %dma_start3A_3 = arith.constant 0 : i32
    %dma_start3A_4 = tpu.memref_slice %arg3[%dma_start3A, %dma_start3A_3] : memref<1000001x64xf32, #tpu.memory_space<hbm>> -> memref<1000001x64xf32, #tpu.memory_space<hbm>>
    tpu.enqueue_indirect_dma source(%dma_start3A_4 : memref<1000001x64xf32, #tpu.memory_space<hbm>>) target(%arg7 : memref<512x64xf32, #tpu.memory_space<vmem>>) offsets(%arg6 : memref<512xi32, #tpu.memory_space<vmem>>) semaphore(%arg9 : memref<!tpu.dma_semaphore, #tpu.memory_space<semaphore_mem>>)
    "tpu.region"() ({
      %run_scoped3A = tpu.sem_alloc : memref<!tpu.dma_semaphore, #tpu.memory_space<semaphore_mem>>
      %dma_start3A_12 = arith.constant 0 : i32
      %dma_start3A_13 = tpu.memref_slice %arg4[%mul3A_2, %dma_start3A_12] : memref<16384x64xf32, #tpu.memory_space<hbm>> -> memref<512x64xf32, #tpu.memory_space<hbm>>
      %dma_start3A_14 = arith.constant 0 : i32
      %dma_start3A_15 = tpu.memref_slice %arg4[%mul3A_2, %dma_start3A_14] : memref<16384x64xf32, #tpu.memory_space<hbm>> -> memref<512x64xf32, #tpu.memory_space<hbm>>
      tpu.enqueue_dma source(%dma_start3A_15 : memref<512x64xf32, #tpu.memory_space<hbm>>) target(%arg8 : memref<512x64xf32, #tpu.memory_space<vmem>>) target_semaphore(%run_scoped3A : memref<!tpu.dma_semaphore, #tpu.memory_space<semaphore_mem>>)
      %dma_wait3A_16 = arith.constant 0 : i32
      %dma_wait3A_17 = tpu.memref_slice %arg4[%mul3A_2, %dma_wait3A_16] : memref<16384x64xf32, #tpu.memory_space<hbm>> -> memref<512x64xf32, #tpu.memory_space<hbm>>
      %dma_wait3A_18 = arith.constant 0 : i32
      %dma_wait3A_19 = tpu.memref_slice %arg4[%mul3A_2, %dma_wait3A_18] : memref<16384x64xf32, #tpu.memory_space<hbm>> -> memref<512x64xf32, #tpu.memory_space<hbm>>
      tpu.wait_dma2 semaphore(%run_scoped3A : memref<!tpu.dma_semaphore, #tpu.memory_space<semaphore_mem>>) src(%dma_wait3A_19 : memref<512x64xf32, #tpu.memory_space<hbm>>) dst(%arg8 : memref<512x64xf32, #tpu.memory_space<vmem>>)
      tpu.yield
    }) : () -> ()
    %dma_wait3A = arith.constant 0 : i32
    %dma_wait3A_5 = arith.constant 0 : i32
    %dma_wait3A_6 = tpu.memref_slice %arg3[%dma_wait3A, %dma_wait3A_5] : memref<1000001x64xf32, #tpu.memory_space<hbm>> -> memref<1000001x64xf32, #tpu.memory_space<hbm>>
    tpu.wait_indirect_dma semaphore(%arg9 : memref<!tpu.dma_semaphore, #tpu.memory_space<semaphore_mem>>) src(%dma_wait3A_6 : memref<1000001x64xf32, #tpu.memory_space<hbm>>) dst(%arg7 : memref<512x64xf32, #tpu.memory_space<vmem>>)
    %scan3A = arith.constant 0 : i32
    %scan3A_7 = arith.constant 0 : i32
    %scan3A_8 = arith.constant 512 : i32
    %scan3A_9 = arith.addi %scan3A_7, %scan3A_8 : i32
    %scan3A_10 = arith.constant 8 : i32
    scf.for %scan3A_12 = %scan3A_7 to %scan3A_9 step %scan3A_10  : i32 {
      %get3A = arith.index_cast %scan3A_12 : i32 to index
      %get3A_13 = arith.constant 0 : index
      %get3A_14 = tpu.vector_load %arg7[%get3A, %get3A_13] {strides = array<i32>} : memref<512x64xf32, #tpu.memory_space<vmem>>, vector<1x16xf32>,
      %get3A_15 = vector.shape_cast %get3A_14 : vector<1x16xf32> to vector<16xf32>
      %get3A_16 = arith.index_cast %scan3A_12 : i32 to index
      %get3A_17 = arith.constant 0 : index
      %get3A_18 = tpu.vector_load %arg8[%get3A_16, %get3A_17] {strides = array<i32>} : memref<512x64xf32, #tpu.memory_space<vmem>>, vector<1x16xf32>,
      %get3A_19 = vector.shape_cast %get3A_18 : vector<1x16xf32> to vector<16xf32>
      %add3A_20 = arith.addf %get3A_15, %get3A_19 : vector<16xf32>
      %swap3A = arith.index_cast %scan3A_12 : i32 to index
      %swap3A_21 = arith.constant 0 : index
      %swap3A_22 = tpu.vector_load %arg7[%swap3A, %swap3A_21] {strides = array<i32>} : memref<512x64xf32, #tpu.memory_space<vmem>>, vector<1x16xf32>,
      %swap3A_23 = vector.shape_cast %swap3A_22 : vector<1x16xf32> to vector<16xf32>
      %swap3A_24 = vector.shape_cast %add3A_20 : vector<16xf32> to vector<1x16xf32>
      tpu.vector_store %arg7[%swap3A, %swap3A_21], %swap3A_24 {strides = array<i32>} : memref<512x64xf32, #tpu.memory_space<vmem>>, vector<1x16xf32>,
      %get3A_25 = arith.index_cast %scan3A_12 : i32 to index
      %get3A_26 = arith.constant 16 : index
      %get3A_27 = tpu.vector_load %arg7[%get3A_25, %get3A_26] {strides = array<i32>} : memref<512x64xf32, #tpu.memory_space<vmem>>, vector<1x16xf32>,
      %get3A_28 = vector.shape_cast %get3A_27 : vector<1x16xf32> to vector<16xf32>
      %get3A_29 = arith.index_cast %scan3A_12 : i32 to index
      %get3A_30 = arith.constant 16 : index
      %get3A_31 = tpu.vector_load %arg8[%get3A_29, %get3A_30] {strides = array<i32>} : memref<512x64xf32, #tpu.memory_space<vmem>>, vector<1x16xf32>,
      %get3A_32 = vector.shape_cast %get3A_31 : vector<1x16xf32> to vector<16xf32>
      %add3A_33 = arith.addf %get3A_28, %get3A_32 : vector<16xf32>
      %swap3A_34 = arith.index_cast %scan3A_12 : i32 to index
      %swap3A_35 = arith.constant 16 : index
      %swap3A_36 = tpu.vector_load %arg7[%swap3A_34, %swap3A_35] {strides = array<i32>} : memref<512x64xf32, #tpu.memory_space<vmem>>, vector<1x16xf32>,
      %swap3A_37 = vector.shape_cast %swap3A_36 : vector<1x16xf32> to vector<16xf32>
      %swap3A_38 = vector.shape_cast %add3A_33 : vector<16xf32> to vector<1x16xf32>
      tpu.vector_store %arg7[%swap3A_34, %swap3A_35], %swap3A_38 {strides = array<i32>} : memref<512x64xf32, #tpu.memory_space<vmem>>, vector<1x16xf32>,
      %get3A_39 = arith.index_cast %scan3A_12 : i32 to index
      %get3A_40 = arith.constant 32 : index
      %get3A_41 = tpu.vector_load %arg7[%get3A_39, %get3A_40] {strides = array<i32>} : memref<512x64xf32, #tpu.memory_space<vmem>>, vector<1x16xf32>,
      %get3A_42 = vector.shape_cast %get3A_41 : vector<1x16xf32> to vector<16xf32>
      %get3A_43 = arith.index_cast %scan3A_12 : i32 to index
      %get3A_44 = arith.constant 32 : index
      %get3A_45 = tpu.vector_load %arg8[%get3A_43, %get3A_44] {strides = array<i32>} : memref<512x64xf32, #tpu.memory_space<vmem>>, vector<1x16xf32>,
      %get3A_46 = vector.shape_cast %get3A_45 : vector<1x16xf32> to vector<16xf32>
      %add3A_47 = arith.addf %get3A_42, %get3A_46 : vector<16xf32>
      %swap3A_48 = arith.index_cast %scan3A_12 : i32 to index
      %swap3A_49 = arith.constant 32 : index
      %swap3A_50 = tpu.vector_load %arg7[%swap3A_48, %swap3A_49] {strides = array<i32>} : memref<512x64xf32, #tpu.memory_space<vmem>>, vector<1x16xf32>,
      %swap3A_51 = vector.shape_cast %swap3A_50 : vector<1x16xf32> to vector<16xf32>
      %swap3A_52 = vector.shape_cast %add3A_47 : vector<16xf32> to vector<1x16xf32>
      tpu.vector_store %arg7[%swap3A_48, %swap3A_49], %swap3A_52 {strides = array<i32>} : memref<512x64xf32, #tpu.memory_space<vmem>>, vector<1x16xf32>,
      %get3A_53 = arith.index_cast %scan3A_12 : i32 to index
      %get3A_54 = arith.constant 48 : index
      %get3A_55 = tpu.vector_load %arg7[%get3A_53, %get3A_54] {strides = array<i32>} : memref<512x64xf32, #tpu.memory_space<vmem>>, vector<1x16xf32>,
      %get3A_56 = vector.shape_cast %get3A_55 : vector<1x16xf32> to vector<16xf32>
      %get3A_57 = arith.index_cast %scan3A_12 : i32 to index
      %get3A_58 = arith.constant 48 : index
      %get3A_59 = tpu.vector_load %arg8[%get3A_57, %get3A_58] {strides = array<i32>} : memref<512x64xf32, #tpu.memory_space<vmem>>, vector<1x16xf32>,
      %get3A_60 = vector.shape_cast %get3A_59 : vector<1x16xf32> to vector<16xf32>
      %add3A_61 = arith.addf %get3A_56, %get3A_60 : vector<16xf32>
      %swap3A_62 = arith.index_cast %scan3A_12 : i32 to index
      %swap3A_63 = arith.constant 48 : index
      %swap3A_64 = tpu.vector_load %arg7[%swap3A_62, %swap3A_63] {strides = array<i32>} : memref<512x64xf32, #tpu.memory_space<vmem>>, vector<1x16xf32>,
      %swap3A_65 = vector.shape_cast %swap3A_64 : vector<1x16xf32> to vector<16xf32>
      %swap3A_66 = vector.shape_cast %add3A_61 : vector<16xf32> to vector<1x16xf32>
      tpu.vector_store %arg7[%swap3A_62, %swap3A_63], %swap3A_66 {strides = array<i32>} : memref<512x64xf32, #tpu.memory_space<vmem>>, vector<1x16xf32>,
      %scan3A_67 = arith.constant 1 : i32
      %scan3A_68 = arith.addi %scan3A_12, %scan3A_67 : i32
      %get3A_69 = arith.index_cast %scan3A_68 : i32 to index
      %get3A_70 = arith.constant 0 : index
      %get3A_71 = tpu.vector_load %arg7[%get3A_69, %get3A_70] {strides = array<i32>} : memref<512x64xf32, #tpu.memory_space<vmem>>, vector<1x16xf32>,
      %get3A_72 = vector.shape_cast %get3A_71 : vector<1x16xf32> to vector<16xf32>
      %get3A_73 = arith.index_cast %scan3A_68 : i32 to index
      %get3A_74 = arith.constant 0 : index
      %get3A_75 = tpu.vector_load %arg8[%get3A_73, %get3A_74] {strides = array<i32>} : memref<512x64xf32, #tpu.memory_space<vmem>>, vector<1x16xf32>,
      %get3A_76 = vector.shape_cast %get3A_75 : vector<1x16xf32> to vector<16xf32>
      %add3A_77 = arith.addf %get3A_72, %get3A_76 : vector<16xf32>
      %swap3A_78 = arith.index_cast %scan3A_68 : i32 to index
      %swap3A_79 = arith.constant 0 : index
      %swap3A_80 = tpu.vector_load %arg7[%swap3A_78, %swap3A_79] {strides = array<i32>} : memref<512x64xf32, #tpu.memory_space<vmem>>, vector<1x16xf32>,
      %swap3A_81 = vector.shape_cast %swap3A_80 : vector<1x16xf32> to vector<16xf32>
      %swap3A_82 = vector.shape_cast %add3A_77 : vector<16xf32> to vector<1x16xf32>
      tpu.vector_store %arg7[%swap3A_78, %swap3A_79], %swap3A_82 {strides = array<i32>} : memref<512x64xf32, #tpu.memory_space<vmem>>, vector<1x16xf32>,
      %get3A_83 = arith.index_cast %scan3A_68 : i32 to index
      %get3A_84 = arith.constant 16 : index
      %get3A_85 = tpu.vector_load %arg7[%get3A_83, %get3A_84] {strides = array<i32>} : memref<512x64xf32, #tpu.memory_space<vmem>>, vector<1x16xf32>,
      %get3A_86 = vector.shape_cast %get3A_85 : vector<1x16xf32> to vector<16xf32>
      %get3A_87 = arith.index_cast %scan3A_68 : i32 to index
      %get3A_88 = arith.constant 16 : index
      %get3A_89 = tpu.vector_load %arg8[%get3A_87, %get3A_88] {strides = array<i32>} : memref<512x64xf32, #tpu.memory_space<vmem>>, vector<1x16xf32>,
      %get3A_90 = vector.shape_cast %get3A_89 : vector<1x16xf32> to vector<16xf32>
      %add3A_91 = arith.addf %get3A_86, %get3A_90 : vector<16xf32>
      %swap3A_92 = arith.index_cast %scan3A_68 : i32 to index
      %swap3A_93 = arith.constant 16 : index
      %swap3A_94 = tpu.vector_load %arg7[%swap3A_92, %swap3A_93] {strides = array<i32>} : memref<512x64xf32, #tpu.memory_space<vmem>>, vector<1x16xf32>,
      %swap3A_95 = vector.shape_cast %swap3A_94 : vector<1x16xf32> to vector<16xf32>
      %swap3A_96 = vector.shape_cast %add3A_91 : vector<16xf32> to vector<1x16xf32>
      tpu.vector_store %arg7[%swap3A_92, %swap3A_93], %swap3A_96 {strides = array<i32>} : memref<512x64xf32, #tpu.memory_space<vmem>>, vector<1x16xf32>,
      %get3A_97 = arith.index_cast %scan3A_68 : i32 to index
      %get3A_98 = arith.constant 32 : index
      %get3A_99 = tpu.vector_load %arg7[%get3A_97, %get3A_98] {strides = array<i32>} : memref<512x64xf32, #tpu.memory_space<vmem>>, vector<1x16xf32>,
      %get3A_100 = vector.shape_cast %get3A_99 : vector<1x16xf32> to vector<16xf32>
      %get3A_101 = arith.index_cast %scan3A_68 : i32 to index
      %get3A_102 = arith.constant 32 : index
      %get3A_103 = tpu.vector_load %arg8[%get3A_101, %get3A_102] {strides = array<i32>} : memref<512x64xf32, #tpu.memory_space<vmem>>, vector<1x16xf32>,
      %get3A_104 = vector.shape_cast %get3A_103 : vector<1x16xf32> to vector<16xf32>
      %add3A_105 = arith.addf %get3A_100, %get3A_104 : vector<16xf32>
      %swap3A_106 = arith.index_cast %scan3A_68 : i32 to index
      %swap3A_107 = arith.constant 32 : index
      %swap3A_108 = tpu.vector_load %arg7[%swap3A_106, %swap3A_107] {strides = array<i32>} : memref<512x64xf32, #tpu.memory_space<vmem>>, vector<1x16xf32>,
      %swap3A_109 = vector.shape_cast %swap3A_108 : vector<1x16xf32> to vector<16xf32>
      %swap3A_110 = vector.shape_cast %add3A_105 : vector<16xf32> to vector<1x16xf32>
      tpu.vector_store %arg7[%swap3A_106, %swap3A_107], %swap3A_110 {strides = array<i32>} : memref<512x64xf32, #tpu.memory_space<vmem>>, vector<1x16xf32>,
      %get3A_111 = arith.index_cast %scan3A_68 : i32 to index
      %get3A_112 = arith.constant 48 : index
      %get3A_113 = tpu.vector_load %arg7[%get3A_111, %get3A_112] {strides = array<i32>} : memref<512x64xf32, #tpu.memory_space<vmem>>, vector<1x16xf32>,
      %get3A_114 = vector.shape_cast %get3A_113 : vector<1x16xf32> to vector<16xf32>
      %get3A_115 = arith.index_cast %scan3A_68 : i32 to index
      %get3A_116 = arith.constant 48 : index
      %get3A_117 = tpu.vector_load %arg8[%get3A_115, %get3A_116] {strides = array<i32>} : memref<512x64xf32, #tpu.memory_space<vmem>>, vector<1x16xf32>,
      %get3A_118 = vector.shape_cast %get3A_117 : vector<1x16xf32> to vector<16xf32>
      %add3A_119 = arith.addf %get3A_114, %get3A_118 : vector<16xf32>
      %swap3A_120 = arith.index_cast %scan3A_68 : i32 to index
      %swap3A_121 = arith.constant 48 : index
      %swap3A_122 = tpu.vector_load %arg7[%swap3A_120, %swap3A_121] {strides = array<i32>} : memref<512x64xf32, #tpu.memory_space<vmem>>, vector<1x16xf32>,
      %swap3A_123 = vector.shape_cast %swap3A_122 : vector<1x16xf32> to vector<16xf32>
      %swap3A_124 = vector.shape_cast %add3A_119 : vector<16xf32> to vector<1x16xf32>
      tpu.vector_store %arg7[%swap3A_120, %swap3A_121], %swap3A_124 {strides = array<i32>} : memref<512x64xf32, #tpu.memory_space<vmem>>, vector<1x16xf32>,
      %scan3A_125 = arith.constant 2 : i32
      %scan3A_126 = arith.addi %scan3A_12, %scan3A_125 : i32
      %get3A_127 = arith.index_cast %scan3A_126 : i32 to index
      %get3A_128 = arith.constant 0 : index
      %get3A_129 = tpu.vector_load %arg7[%get3A_127, %get3A_128] {strides = array<i32>} : memref<512x64xf32, #tpu.memory_space<vmem>>, vector<1x16xf32>,
      %get3A_130 = vector.shape_cast %get3A_129 : vector<1x16xf32> to vector<16xf32>
      %get3A_131 = arith.index_cast %scan3A_126 : i32 to index
      %get3A_132 = arith.constant 0 : index
      %get3A_133 = tpu.vector_load %arg8[%get3A_131, %get3A_132] {strides = array<i32>} : memref<512x64xf32, #tpu.memory_space<vmem>>, vector<1x16xf32>,
      %get3A_134 = vector.shape_cast %get3A_133 : vector<1x16xf32> to vector<16xf32>
      %add3A_135 = arith.addf %get3A_130, %get3A_134 : vector<16xf32>
      %swap3A_136 = arith.index_cast %scan3A_126 : i32 to index
      %swap3A_137 = arith.constant 0 : index
      %swap3A_138 = tpu.vector_load %arg7[%swap3A_136, %swap3A_137] {strides = array<i32>} : memref<512x64xf32, #tpu.memory_space<vmem>>, vector<1x16xf32>,
      %swap3A_139 = vector.shape_cast %swap3A_138 : vector<1x16xf32> to vector<16xf32>
      %swap3A_140 = vector.shape_cast %add3A_135 : vector<16xf32> to vector<1x16xf32>
      tpu.vector_store %arg7[%swap3A_136, %swap3A_137], %swap3A_140 {strides = array<i32>} : memref<512x64xf32, #tpu.memory_space<vmem>>, vector<1x16xf32>,
      %get3A_141 = arith.index_cast %scan3A_126 : i32 to index
      %get3A_142 = arith.constant 16 : index
      %get3A_143 = tpu.vector_load %arg7[%get3A_141, %get3A_142] {strides = array<i32>} : memref<512x64xf32, #tpu.memory_space<vmem>>, vector<1x16xf32>,
      %get3A_144 = vector.shape_cast %get3A_143 : vector<1x16xf32> to vector<16xf32>
      %get3A_145 = arith.index_cast %scan3A_126 : i32 to index
      %get3A_146 = arith.constant 16 : index
      %get3A_147 = tpu.vector_load %arg8[%get3A_145, %get3A_146] {strides = array<i32>} : memref<512x64xf32, #tpu.memory_space<vmem>>, vector<1x16xf32>,
      %get3A_148 = vector.shape_cast %get3A_147 : vector<1x16xf32> to vector<16xf32>
      %add3A_149 = arith.addf %get3A_144, %get3A_148 : vector<16xf32>
      %swap3A_150 = arith.index_cast %scan3A_126 : i32 to index
      %swap3A_151 = arith.constant 16 : index
      %swap3A_152 = tpu.vector_load %arg7[%swap3A_150, %swap3A_151] {strides = array<i32>} : memref<512x64xf32, #tpu.memory_space<vmem>>, vector<1x16xf32>,
      %swap3A_153 = vector.shape_cast %swap3A_152 : vector<1x16xf32> to vector<16xf32>
      %swap3A_154 = vector.shape_cast %add3A_149 : vector<16xf32> to vector<1x16xf32>
      tpu.vector_store %arg7[%swap3A_150, %swap3A_151], %swap3A_154 {strides = array<i32>} : memref<512x64xf32, #tpu.memory_space<vmem>>, vector<1x16xf32>,
      %get3A_155 = arith.index_cast %scan3A_126 : i32 to index
      %get3A_156 = arith.constant 32 : index
      %get3A_157 = tpu.vector_load %arg7[%get3A_155, %get3A_156] {strides = array<i32>} : memref<512x64xf32, #tpu.memory_space<vmem>>, vector<1x16xf32>,
      %get3A_158 = vector.shape_cast %get3A_157 : vector<1x16xf32> to vector<16xf32>
      %get3A_159 = arith.index_cast %scan3A_126 : i32 to index
      %get3A_160 = arith.constant 32 : index
      %get3A_161 = tpu.vector_load %arg8[%get3A_159, %get3A_160] {strides = array<i32>} : memref<512x64xf32, #tpu.memory_space<vmem>>, vector<1x16xf32>,
      %get3A_162 = vector.shape_cast %get3A_161 : vector<1x16xf32> to vector<16xf32>
      %add3A_163 = arith.addf %get3A_158, %get3A_162 : vector<16xf32>
      %swap3A_164 = arith.index_cast %scan3A_126 : i32 to index
      %swap3A_165 = arith.constant 32 : index
      %swap3A_166 = tpu.vector_load %arg7[%swap3A_164, %swap3A_165] {strides = array<i32>} : memref<512x64xf32, #tpu.memory_space<vmem>>, vector<1x16xf32>,
      %swap3A_167 = vector.shape_cast %swap3A_166 : vector<1x16xf32> to vector<16xf32>
      %swap3A_168 = vector.shape_cast %add3A_163 : vector<16xf32> to vector<1x16xf32>
      tpu.vector_store %arg7[%swap3A_164, %swap3A_165], %swap3A_168 {strides = array<i32>} : memref<512x64xf32, #tpu.memory_space<vmem>>, vector<1x16xf32>,
      %get3A_169 = arith.index_cast %scan3A_126 : i32 to index
      %get3A_170 = arith.constant 48 : index
      %get3A_171 = tpu.vector_load %arg7[%get3A_169, %get3A_170] {strides = array<i32>} : memref<512x64xf32, #tpu.memory_space<vmem>>, vector<1x16xf32>,
      %get3A_172 = vector.shape_cast %get3A_171 : vector<1x16xf32> to vector<16xf32>
      %get3A_173 = arith.index_cast %scan3A_126 : i32 to index
      %get3A_174 = arith.constant 48 : index
      %get3A_175 = tpu.vector_load %arg8[%get3A_173, %get3A_174] {strides = array<i32>} : memref<512x64xf32, #tpu.memory_space<vmem>>, vector<1x16xf32>,
      %get3A_176 = vector.shape_cast %get3A_175 : vector<1x16xf32> to vector<16xf32>
      %add3A_177 = arith.addf %get3A_172, %get3A_176 : vector<16xf32>
      %swap3A_178 = arith.index_cast %scan3A_126 : i32 to index
      %swap3A_179 = arith.constant 48 : index
      %swap3A_180 = tpu.vector_load %arg7[%swap3A_178, %swap3A_179] {strides = array<i32>} : memref<512x64xf32, #tpu.memory_space<vmem>>, vector<1x16xf32>,
      %swap3A_181 = vector.shape_cast %swap3A_180 : vector<1x16xf32> to vector<16xf32>
      %swap3A_182 = vector.shape_cast %add3A_177 : vector<16xf32> to vector<1x16xf32>
      tpu.vector_store %arg7[%swap3A_178, %swap3A_179], %swap3A_182 {strides = array<i32>} : memref<512x64xf32, #tpu.memory_space<vmem>>, vector<1x16xf32>,
      %scan3A_183 = arith.constant 3 : i32
      %scan3A_184 = arith.addi %scan3A_12, %scan3A_183 : i32
      %get3A_185 = arith.index_cast %scan3A_184 : i32 to index
      %get3A_186 = arith.constant 0 : index
      %get3A_187 = tpu.vector_load %arg7[%get3A_185, %get3A_186] {strides = array<i32>} : memref<512x64xf32, #tpu.memory_space<vmem>>, vector<1x16xf32>,
      %get3A_188 = vector.shape_cast %get3A_187 : vector<1x16xf32> to vector<16xf32>
      %get3A_189 = arith.index_cast %scan3A_184 : i32 to index
      %get3A_190 = arith.constant 0 : index
      %get3A_191 = tpu.vector_load %arg8[%get3A_189, %get3A_190] {strides = array<i32>} : memref<512x64xf32, #tpu.memory_space<vmem>>, vector<1x16xf32>,
      %get3A_192 = vector.shape_cast %get3A_191 : vector<1x16xf32> to vector<16xf32>
      %add3A_193 = arith.addf %get3A_188, %get3A_192 : vector<16xf32>
      %swap3A_194 = arith.index_cast %scan3A_184 : i32 to index
      %swap3A_195 = arith.constant 0 : index
      %swap3A_196 = tpu.vector_load %arg7[%swap3A_194, %swap3A_195] {strides = array<i32>} : memref<512x64xf32, #tpu.memory_space<vmem>>, vector<1x16xf32>,
      %swap3A_197 = vector.shape_cast %swap3A_196 : vector<1x16xf32> to vector<16xf32>
      %swap3A_198 = vector.shape_cast %add3A_193 : vector<16xf32> to vector<1x16xf32>
      tpu.vector_store %arg7[%swap3A_194, %swap3A_195], %swap3A_198 {strides = array<i32>} : memref<512x64xf32, #tpu.memory_space<vmem>>, vector<1x16xf32>,
      %get3A_199 = arith.index_cast %scan3A_184 : i32 to index
      %get3A_200 = arith.constant 16 : index
      %get3A_201 = tpu.vector_load %arg7[%get3A_199, %get3A_200] {strides = array<i32>} : memref<512x64xf32, #tpu.memory_space<vmem>>, vector<1x16xf32>,
      %get3A_202 = vector.shape_cast %get3A_201 : vector<1x16xf32> to vector<16xf32>
      %get3A_203 = arith.index_cast %scan3A_184 : i32 to index
      %get3A_204 = arith.constant 16 : index
      %get3A_205 = tpu.vector_load %arg8[%get3A_203, %get3A_204] {strides = array<i32>} : memref<512x64xf32, #tpu.memory_space<vmem>>, vector<1x16xf32>,
      %get3A_206 = vector.shape_cast %get3A_205 : vector<1x16xf32> to vector<16xf32>
      %add3A_207 = arith.addf %get3A_202, %get3A_206 : vector<16xf32>
      %swap3A_208 = arith.index_cast %scan3A_184 : i32 to index
      %swap3A_209 = arith.constant 16 : index
      %swap3A_210 = tpu.vector_load %arg7[%swap3A_208, %swap3A_209] {strides = array<i32>} : memref<512x64xf32, #tpu.memory_space<vmem>>, vector<1x16xf32>,
      %swap3A_211 = vector.shape_cast %swap3A_210 : vector<1x16xf32> to vector<16xf32>
      %swap3A_212 = vector.shape_cast %add3A_207 : vector<16xf32> to vector<1x16xf32>
      tpu.vector_store %arg7[%swap3A_208, %swap3A_209], %swap3A_212 {strides = array<i32>} : memref<512x64xf32, #tpu.memory_space<vmem>>, vector<1x16xf32>,
      %get3A_213 = arith.index_cast %scan3A_184 : i32 to index
      %get3A_214 = arith.constant 32 : index
      %get3A_215 = tpu.vector_load %arg7[%get3A_213, %get3A_214] {strides = array<i32>} : memref<512x64xf32, #tpu.memory_space<vmem>>, vector<1x16xf32>,
      %get3A_216 = vector.shape_cast %get3A_215 : vector<1x16xf32> to vector<16xf32>
      %get3A_217 = arith.index_cast %scan3A_184 : i32 to index
      %get3A_218 = arith.constant 32 : index
      %get3A_219 = tpu.vector_load %arg8[%get3A_217, %get3A_218] {strides = array<i32>} : memref<512x64xf32, #tpu.memory_space<vmem>>, vector<1x16xf32>,
      %get3A_220 = vector.shape_cast %get3A_219 : vector<1x16xf32> to vector<16xf32>
      %add3A_221 = arith.addf %get3A_216, %get3A_220 : vector<16xf32>
      %swap3A_222 = arith.index_cast %scan3A_184 : i32 to index
      %swap3A_223 = arith.constant 32 : index
      %swap3A_224 = tpu.vector_load %arg7[%swap3A_222, %swap3A_223] {strides = array<i32>} : memref<512x64xf32, #tpu.memory_space<vmem>>, vector<1x16xf32>,
      %swap3A_225 = vector.shape_cast %swap3A_224 : vector<1x16xf32> to vector<16xf32>
      %swap3A_226 = vector.shape_cast %add3A_221 : vector<16xf32> to vector<1x16xf32>
      tpu.vector_store %arg7[%swap3A_222, %swap3A_223], %swap3A_226 {strides = array<i32>} : memref<512x64xf32, #tpu.memory_space<vmem>>, vector<1x16xf32>,
      %get3A_227 = arith.index_cast %scan3A_184 : i32 to index
      %get3A_228 = arith.constant 48 : index
      %get3A_229 = tpu.vector_load %arg7[%get3A_227, %get3A_228] {strides = array<i32>} : memref<512x64xf32, #tpu.memory_space<vmem>>, vector<1x16xf32>,
      %get3A_230 = vector.shape_cast %get3A_229 : vector<1x16xf32> to vector<16xf32>
      %get3A_231 = arith.index_cast %scan3A_184 : i32 to index
      %get3A_232 = arith.constant 48 : index
      %get3A_233 = tpu.vector_load %arg8[%get3A_231, %get3A_232] {strides = array<i32>} : memref<512x64xf32, #tpu.memory_space<vmem>>, vector<1x16xf32>,
      %get3A_234 = vector.shape_cast %get3A_233 : vector<1x16xf32> to vector<16xf32>
      %add3A_235 = arith.addf %get3A_230, %get3A_234 : vector<16xf32>
      %swap3A_236 = arith.index_cast %scan3A_184 : i32 to index
      %swap3A_237 = arith.constant 48 : index
      %swap3A_238 = tpu.vector_load %arg7[%swap3A_236, %swap3A_237] {strides = array<i32>} : memref<512x64xf32, #tpu.memory_space<vmem>>, vector<1x16xf32>,
      %swap3A_239 = vector.shape_cast %swap3A_238 : vector<1x16xf32> to vector<16xf32>
      %swap3A_240 = vector.shape_cast %add3A_235 : vector<16xf32> to vector<1x16xf32>
      tpu.vector_store %arg7[%swap3A_236, %swap3A_237], %swap3A_240 {strides = array<i32>} : memref<512x64xf32, #tpu.memory_space<vmem>>, vector<1x16xf32>,
      %scan3A_241 = arith.constant 4 : i32
      %scan3A_242 = arith.addi %scan3A_12, %scan3A_241 : i32
      %get3A_243 = arith.index_cast %scan3A_242 : i32 to index
      %get3A_244 = arith.constant 0 : index
      %get3A_245 = tpu.vector_load %arg7[%get3A_243, %get3A_244] {strides = array<i32>} : memref<512x64xf32, #tpu.memory_space<vmem>>, vector<1x16xf32>,
      %get3A_246 = vector.shape_cast %get3A_245 : vector<1x16xf32> to vector<16xf32>
      %get3A_247 = arith.index_cast %scan3A_242 : i32 to index
      %get3A_248 = arith.constant 0 : index
      %get3A_249 = tpu.vector_load %arg8[%get3A_247, %get3A_248] {strides = array<i32>} : memref<512x64xf32, #tpu.memory_space<vmem>>, vector<1x16xf32>,
      %get3A_250 = vector.shape_cast %get3A_249 : vector<1x16xf32> to vector<16xf32>
      %add3A_251 = arith.addf %get3A_246, %get3A_250 : vector<16xf32>
      %swap3A_252 = arith.index_cast %scan3A_242 : i32 to index
      %swap3A_253 = arith.constant 0 : index
      %swap3A_254 = tpu.vector_load %arg7[%swap3A_252, %swap3A_253] {strides = array<i32>} : memref<512x64xf32, #tpu.memory_space<vmem>>, vector<1x16xf32>,
      %swap3A_255 = vector.shape_cast %swap3A_254 : vector<1x16xf32> to vector<16xf32>
      %swap3A_256 = vector.shape_cast %add3A_251 : vector<16xf32> to vector<1x16xf32>
      tpu.vector_store %arg7[%swap3A_252, %swap3A_253], %swap3A_256 {strides = array<i32>} : memref<512x64xf32, #tpu.memory_space<vmem>>, vector<1x16xf32>,
      %get3A_257 = arith.index_cast %scan3A_242 : i32 to index
      %get3A_258 = arith.constant 16 : index
      %get3A_259 = tpu.vector_load %arg7[%get3A_257, %get3A_258] {strides = array<i32>} : memref<512x64xf32, #tpu.memory_space<vmem>>, vector<1x16xf32>,
      %get3A_260 = vector.shape_cast %get3A_259 : vector<1x16xf32> to vector<16xf32>
      %get3A_261 = arith.index_cast %scan3A_242 : i32 to index
      %get3A_262 = arith.constant 16 : index
      %get3A_263 = tpu.vector_load %arg8[%get3A_261, %get3A_262] {strides = array<i32>} : memref<512x64xf32, #tpu.memory_space<vmem>>, vector<1x16xf32>,
      %get3A_264 = vector.shape_cast %get3A_263 : vector<1x16xf32> to vector<16xf32>
      %add3A_265 = arith.addf %get3A_260, %get3A_264 : vector<16xf32>
      %swap3A_266 = arith.index_cast %scan3A_242 : i32 to index
      %swap3A_267 = arith.constant 16 : index
      %swap3A_268 = tpu.vector_load %arg7[%swap3A_266, %swap3A_267] {strides = array<i32>} : memref<512x64xf32, #tpu.memory_space<vmem>>, vector<1x16xf32>,
      %swap3A_269 = vector.shape_cast %swap3A_268 : vector<1x16xf32> to vector<16xf32>
      %swap3A_270 = vector.shape_cast %add3A_265 : vector<16xf32> to vector<1x16xf32>
      tpu.vector_store %arg7[%swap3A_266, %swap3A_267], %swap3A_270 {strides = array<i32>} : memref<512x64xf32, #tpu.memory_space<vmem>>, vector<1x16xf32>,
      %get3A_271 = arith.index_cast %scan3A_242 : i32 to index
      %get3A_272 = arith.constant 32 : index
      %get3A_273 = tpu.vector_load %arg7[%get3A_271, %get3A_272] {strides = array<i32>} : memref<512x64xf32, #tpu.memory_space<vmem>>, vector<1x16xf32>,
      %get3A_274 = vector.shape_cast %get3A_273 : vector<1x16xf32> to vector<16xf32>
      %get3A_275 = arith.index_cast %scan3A_242 : i32 to index
      %get3A_276 = arith.constant 32 : index
      %get3A_277 = tpu.vector_load %arg8[%get3A_275, %get3A_276] {strides = array<i32>} : memref<512x64xf32, #tpu.memory_space<vmem>>, vector<1x16xf32>,
      %get3A_278 = vector.shape_cast %get3A_277 : vector<1x16xf32> to vector<16xf32>
      %add3A_279 = arith.addf %get3A_274, %get3A_278 : vector<16xf32>
      %swap3A_280 = arith.index_cast %scan3A_242 : i32 to index
      %swap3A_281 = arith.constant 32 : index
      %swap3A_282 = tpu.vector_load %arg7[%swap3A_280, %swap3A_281] {strides = array<i32>} : memref<512x64xf32, #tpu.memory_space<vmem>>, vector<1x16xf32>,
      %swap3A_283 = vector.shape_cast %swap3A_282 : vector<1x16xf32> to vector<16xf32>
      %swap3A_284 = vector.shape_cast %add3A_279 : vector<16xf32> to vector<1x16xf32>
      tpu.vector_store %arg7[%swap3A_280, %swap3A_281], %swap3A_284 {strides = array<i32>} : memref<512x64xf32, #tpu.memory_space<vmem>>, vector<1x16xf32>,
      %get3A_285 = arith.index_cast %scan3A_242 : i32 to index
      %get3A_286 = arith.constant 48 : index
      %get3A_287 = tpu.vector_load %arg7[%get3A_285, %get3A_286] {strides = array<i32>} : memref<512x64xf32, #tpu.memory_space<vmem>>, vector<1x16xf32>,
      %get3A_288 = vector.shape_cast %get3A_287 : vector<1x16xf32> to vector<16xf32>
      %get3A_289 = arith.index_cast %scan3A_242 : i32 to index
      %get3A_290 = arith.constant 48 : index
      %get3A_291 = tpu.vector_load %arg8[%get3A_289, %get3A_290] {strides = array<i32>} : memref<512x64xf32, #tpu.memory_space<vmem>>, vector<1x16xf32>,
      %get3A_292 = vector.shape_cast %get3A_291 : vector<1x16xf32> to vector<16xf32>
      %add3A_293 = arith.addf %get3A_288, %get3A_292 : vector<16xf32>
      %swap3A_294 = arith.index_cast %scan3A_242 : i32 to index
      %swap3A_295 = arith.constant 48 : index
      %swap3A_296 = tpu.vector_load %arg7[%swap3A_294, %swap3A_295] {strides = array<i32>} : memref<512x64xf32, #tpu.memory_space<vmem>>, vector<1x16xf32>,
      %swap3A_297 = vector.shape_cast %swap3A_296 : vector<1x16xf32> to vector<16xf32>
      %swap3A_298 = vector.shape_cast %add3A_293 : vector<16xf32> to vector<1x16xf32>
      tpu.vector_store %arg7[%swap3A_294, %swap3A_295], %swap3A_298 {strides = array<i32>} : memref<512x64xf32, #tpu.memory_space<vmem>>, vector<1x16xf32>,
      %scan3A_299 = arith.constant 5 : i32
      %scan3A_300 = arith.addi %scan3A_12, %scan3A_299 : i32
      %get3A_301 = arith.index_cast %scan3A_300 : i32 to index
      %get3A_302 = arith.constant 0 : index
      %get3A_303 = tpu.vector_load %arg7[%get3A_301, %get3A_302] {strides = array<i32>} : memref<512x64xf32, #tpu.memory_space<vmem>>, vector<1x16xf32>,
      %get3A_304 = vector.shape_cast %get3A_303 : vector<1x16xf32> to vector<16xf32>
      %get3A_305 = arith.index_cast %scan3A_300 : i32 to index
      %get3A_306 = arith.constant 0 : index
      %get3A_307 = tpu.vector_load %arg8[%get3A_305, %get3A_306] {strides = array<i32>} : memref<512x64xf32, #tpu.memory_space<vmem>>, vector<1x16xf32>,
      %get3A_308 = vector.shape_cast %get3A_307 : vector<1x16xf32> to vector<16xf32>
      %add3A_309 = arith.addf %get3A_304, %get3A_308 : vector<16xf32>
      %swap3A_310 = arith.index_cast %scan3A_300 : i32 to index
      %swap3A_311 = arith.constant 0 : index
      %swap3A_312 = tpu.vector_load %arg7[%swap3A_310, %swap3A_311] {strides = array<i32>} : memref<512x64xf32, #tpu.memory_space<vmem>>, vector<1x16xf32>,
      %swap3A_313 = vector.shape_cast %swap3A_312 : vector<1x16xf32> to vector<16xf32>
      %swap3A_314 = vector.shape_cast %add3A_309 : vector<16xf32> to vector<1x16xf32>
      tpu.vector_store %arg7[%swap3A_310, %swap3A_311], %swap3A_314 {strides = array<i32>} : memref<512x64xf32, #tpu.memory_space<vmem>>, vector<1x16xf32>,
      %get3A_315 = arith.index_cast %scan3A_300 : i32 to index
      %get3A_316 = arith.constant 16 : index
      %get3A_317 = tpu.vector_load %arg7[%get3A_315, %get3A_316] {strides = array<i32>} : memref<512x64xf32, #tpu.memory_space<vmem>>, vector<1x16xf32>,
      %get3A_318 = vector.shape_cast %get3A_317 : vector<1x16xf32> to vector<16xf32>
      %get3A_319 = arith.index_cast %scan3A_300 : i32 to index
      %get3A_320 = arith.constant 16 : index
      %get3A_321 = tpu.vector_load %arg8[%get3A_319, %get3A_320] {strides = array<i32>} : memref<512x64xf32, #tpu.memory_space<vmem>>, vector<1x16xf32>,
      %get3A_322 = vector.shape_cast %get3A_321 : vector<1x16xf32> to vector<16xf32>
      %add3A_323 = arith.addf %get3A_318, %get3A_322 : vector<16xf32>
      %swap3A_324 = arith.index_cast %scan3A_300 : i32 to index
      %swap3A_325 = arith.constant 16 : index
      %swap3A_326 = tpu.vector_load %arg7[%swap3A_324, %swap3A_325] {strides = array<i32>} : memref<512x64xf32, #tpu.memory_space<vmem>>, vector<1x16xf32>,
      %swap3A_327 = vector.shape_cast %swap3A_326 : vector<1x16xf32> to vector<16xf32>
      %swap3A_328 = vector.shape_cast %add3A_323 : vector<16xf32> to vector<1x16xf32>
      tpu.vector_store %arg7[%swap3A_324, %swap3A_325], %swap3A_328 {strides = array<i32>} : memref<512x64xf32, #tpu.memory_space<vmem>>, vector<1x16xf32>,
      %get3A_329 = arith.index_cast %scan3A_300 : i32 to index
      %get3A_330 = arith.constant 32 : index
      %get3A_331 = tpu.vector_load %arg7[%get3A_329, %get3A_330] {strides = array<i32>} : memref<512x64xf32, #tpu.memory_space<vmem>>, vector<1x16xf32>,
      %get3A_332 = vector.shape_cast %get3A_331 : vector<1x16xf32> to vector<16xf32>
      %get3A_333 = arith.index_cast %scan3A_300 : i32 to index
      %get3A_334 = arith.constant 32 : index
      %get3A_335 = tpu.vector_load %arg8[%get3A_333, %get3A_334] {strides = array<i32>} : memref<512x64xf32, #tpu.memory_space<vmem>>, vector<1x16xf32>,
      %get3A_336 = vector.shape_cast %get3A_335 : vector<1x16xf32> to vector<16xf32>
      %add3A_337 = arith.addf %get3A_332, %get3A_336 : vector<16xf32>
      %swap3A_338 = arith.index_cast %scan3A_300 : i32 to index
      %swap3A_339 = arith.constant 32 : index
      %swap3A_340 = tpu.vector_load %arg7[%swap3A_338, %swap3A_339] {strides = array<i32>} : memref<512x64xf32, #tpu.memory_space<vmem>>, vector<1x16xf32>,
      %swap3A_341 = vector.shape_cast %swap3A_340 : vector<1x16xf32> to vector<16xf32>
      %swap3A_342 = vector.shape_cast %add3A_337 : vector<16xf32> to vector<1x16xf32>
      tpu.vector_store %arg7[%swap3A_338, %swap3A_339], %swap3A_342 {strides = array<i32>} : memref<512x64xf32, #tpu.memory_space<vmem>>, vector<1x16xf32>,
      %get3A_343 = arith.index_cast %scan3A_300 : i32 to index
      %get3A_344 = arith.constant 48 : index
      %get3A_345 = tpu.vector_load %arg7[%get3A_343, %get3A_344] {strides = array<i32>} : memref<512x64xf32, #tpu.memory_space<vmem>>, vector<1x16xf32>,
      %get3A_346 = vector.shape_cast %get3A_345 : vector<1x16xf32> to vector<16xf32>
      %get3A_347 = arith.index_cast %scan3A_300 : i32 to index
      %get3A_348 = arith.constant 48 : index
      %get3A_349 = tpu.vector_load %arg8[%get3A_347, %get3A_348] {strides = array<i32>} : memref<512x64xf32, #tpu.memory_space<vmem>>, vector<1x16xf32>,
      %get3A_350 = vector.shape_cast %get3A_349 : vector<1x16xf32> to vector<16xf32>
      %add3A_351 = arith.addf %get3A_346, %get3A_350 : vector<16xf32>
      %swap3A_352 = arith.index_cast %scan3A_300 : i32 to index
      %swap3A_353 = arith.constant 48 : index
      %swap3A_354 = tpu.vector_load %arg7[%swap3A_352, %swap3A_353] {strides = array<i32>} : memref<512x64xf32, #tpu.memory_space<vmem>>, vector<1x16xf32>,
      %swap3A_355 = vector.shape_cast %swap3A_354 : vector<1x16xf32> to vector<16xf32>
      %swap3A_356 = vector.shape_cast %add3A_351 : vector<16xf32> to vector<1x16xf32>
      tpu.vector_store %arg7[%swap3A_352, %swap3A_353], %swap3A_356 {strides = array<i32>} : memref<512x64xf32, #tpu.memory_space<vmem>>, vector<1x16xf32>,
      %scan3A_357 = arith.constant 6 : i32
      %scan3A_358 = arith.addi %scan3A_12, %scan3A_357 : i32
      %get3A_359 = arith.index_cast %scan3A_358 : i32 to index
      %get3A_360 = arith.constant 0 : index
      %get3A_361 = tpu.vector_load %arg7[%get3A_359, %get3A_360] {strides = array<i32>} : memref<512x64xf32, #tpu.memory_space<vmem>>, vector<1x16xf32>,
      %get3A_362 = vector.shape_cast %get3A_361 : vector<1x16xf32> to vector<16xf32>
      %get3A_363 = arith.index_cast %scan3A_358 : i32 to index
      %get3A_364 = arith.constant 0 : index
      %get3A_365 = tpu.vector_load %arg8[%get3A_363, %get3A_364] {strides = array<i32>} : memref<512x64xf32, #tpu.memory_space<vmem>>, vector<1x16xf32>,
      %get3A_366 = vector.shape_cast %get3A_365 : vector<1x16xf32> to vector<16xf32>
      %add3A_367 = arith.addf %get3A_362, %get3A_366 : vector<16xf32>
      %swap3A_368 = arith.index_cast %scan3A_358 : i32 to index
      %swap3A_369 = arith.constant 0 : index
      %swap3A_370 = tpu.vector_load %arg7[%swap3A_368, %swap3A_369] {strides = array<i32>} : memref<512x64xf32, #tpu.memory_space<vmem>>, vector<1x16xf32>,
      %swap3A_371 = vector.shape_cast %swap3A_370 : vector<1x16xf32> to vector<16xf32>
      %swap3A_372 = vector.shape_cast %add3A_367 : vector<16xf32> to vector<1x16xf32>
      tpu.vector_store %arg7[%swap3A_368, %swap3A_369], %swap3A_372 {strides = array<i32>} : memref<512x64xf32, #tpu.memory_space<vmem>>, vector<1x16xf32>,
      %get3A_373 = arith.index_cast %scan3A_358 : i32 to index
      %get3A_374 = arith.constant 16 : index
      %get3A_375 = tpu.vector_load %arg7[%get3A_373, %get3A_374] {strides = array<i32>} : memref<512x64xf32, #tpu.memory_space<vmem>>, vector<1x16xf32>,
      %get3A_376 = vector.shape_cast %get3A_375 : vector<1x16xf32> to vector<16xf32>
      %get3A_377 = arith.index_cast %scan3A_358 : i32 to index
      %get3A_378 = arith.constant 16 : index
      %get3A_379 = tpu.vector_load %arg8[%get3A_377, %get3A_378] {strides = array<i32>} : memref<512x64xf32, #tpu.memory_space<vmem>>, vector<1x16xf32>,
      %get3A_380 = vector.shape_cast %get3A_379 : vector<1x16xf32> to vector<16xf32>
      %add3A_381 = arith.addf %get3A_376, %get3A_380 : vector<16xf32>
      %swap3A_382 = arith.index_cast %scan3A_358 : i32 to index
      %swap3A_383 = arith.constant 16 : index
      %swap3A_384 = tpu.vector_load %arg7[%swap3A_382, %swap3A_383] {strides = array<i32>} : memref<512x64xf32, #tpu.memory_space<vmem>>, vector<1x16xf32>,
      %swap3A_385 = vector.shape_cast %swap3A_384 : vector<1x16xf32> to vector<16xf32>
      %swap3A_386 = vector.shape_cast %add3A_381 : vector<16xf32> to vector<1x16xf32>
      tpu.vector_store %arg7[%swap3A_382, %swap3A_383], %swap3A_386 {strides = array<i32>} : memref<512x64xf32, #tpu.memory_space<vmem>>, vector<1x16xf32>,
      %get3A_387 = arith.index_cast %scan3A_358 : i32 to index
      %get3A_388 = arith.constant 32 : index
      %get3A_389 = tpu.vector_load %arg7[%get3A_387, %get3A_388] {strides = array<i32>} : memref<512x64xf32, #tpu.memory_space<vmem>>, vector<1x16xf32>,
      %get3A_390 = vector.shape_cast %get3A_389 : vector<1x16xf32> to vector<16xf32>
      %get3A_391 = arith.index_cast %scan3A_358 : i32 to index
      %get3A_392 = arith.constant 32 : index
      %get3A_393 = tpu.vector_load %arg8[%get3A_391, %get3A_392] {strides = array<i32>} : memref<512x64xf32, #tpu.memory_space<vmem>>, vector<1x16xf32>,
      %get3A_394 = vector.shape_cast %get3A_393 : vector<1x16xf32> to vector<16xf32>
      %add3A_395 = arith.addf %get3A_390, %get3A_394 : vector<16xf32>
      %swap3A_396 = arith.index_cast %scan3A_358 : i32 to index
      %swap3A_397 = arith.constant 32 : index
      %swap3A_398 = tpu.vector_load %arg7[%swap3A_396, %swap3A_397] {strides = array<i32>} : memref<512x64xf32, #tpu.memory_space<vmem>>, vector<1x16xf32>,
      %swap3A_399 = vector.shape_cast %swap3A_398 : vector<1x16xf32> to vector<16xf32>
      %swap3A_400 = vector.shape_cast %add3A_395 : vector<16xf32> to vector<1x16xf32>
      tpu.vector_store %arg7[%swap3A_396, %swap3A_397], %swap3A_400 {strides = array<i32>} : memref<512x64xf32, #tpu.memory_space<vmem>>, vector<1x16xf32>,
      %get3A_401 = arith.index_cast %scan3A_358 : i32 to index
      %get3A_402 = arith.constant 48 : index
      %get3A_403 = tpu.vector_load %arg7[%get3A_401, %get3A_402] {strides = array<i32>} : memref<512x64xf32, #tpu.memory_space<vmem>>, vector<1x16xf32>,
      %get3A_404 = vector.shape_cast %get3A_403 : vector<1x16xf32> to vector<16xf32>
      %get3A_405 = arith.index_cast %scan3A_358 : i32 to index
      %get3A_406 = arith.constant 48 : index
      %get3A_407 = tpu.vector_load %arg8[%get3A_405, %get3A_406] {strides = array<i32>} : memref<512x64xf32, #tpu.memory_space<vmem>>, vector<1x16xf32>,
      %get3A_408 = vector.shape_cast %get3A_407 : vector<1x16xf32> to vector<16xf32>
      %add3A_409 = arith.addf %get3A_404, %get3A_408 : vector<16xf32>
      %swap3A_410 = arith.index_cast %scan3A_358 : i32 to index
      %swap3A_411 = arith.constant 48 : index
      %swap3A_412 = tpu.vector_load %arg7[%swap3A_410, %swap3A_411] {strides = array<i32>} : memref<512x64xf32, #tpu.memory_space<vmem>>, vector<1x16xf32>,
      %swap3A_413 = vector.shape_cast %swap3A_412 : vector<1x16xf32> to vector<16xf32>
      %swap3A_414 = vector.shape_cast %add3A_409 : vector<16xf32> to vector<1x16xf32>
      tpu.vector_store %arg7[%swap3A_410, %swap3A_411], %swap3A_414 {strides = array<i32>} : memref<512x64xf32, #tpu.memory_space<vmem>>, vector<1x16xf32>,
      %scan3A_415 = arith.constant 7 : i32
      %scan3A_416 = arith.addi %scan3A_12, %scan3A_415 : i32
      %get3A_417 = arith.index_cast %scan3A_416 : i32 to index
      %get3A_418 = arith.constant 0 : index
      %get3A_419 = tpu.vector_load %arg7[%get3A_417, %get3A_418] {strides = array<i32>} : memref<512x64xf32, #tpu.memory_space<vmem>>, vector<1x16xf32>,
      %get3A_420 = vector.shape_cast %get3A_419 : vector<1x16xf32> to vector<16xf32>
      %get3A_421 = arith.index_cast %scan3A_416 : i32 to index
      %get3A_422 = arith.constant 0 : index
      %get3A_423 = tpu.vector_load %arg8[%get3A_421, %get3A_422] {strides = array<i32>} : memref<512x64xf32, #tpu.memory_space<vmem>>, vector<1x16xf32>,
      %get3A_424 = vector.shape_cast %get3A_423 : vector<1x16xf32> to vector<16xf32>
      %add3A_425 = arith.addf %get3A_420, %get3A_424 : vector<16xf32>
      %swap3A_426 = arith.index_cast %scan3A_416 : i32 to index
      %swap3A_427 = arith.constant 0 : index
      %swap3A_428 = tpu.vector_load %arg7[%swap3A_426, %swap3A_427] {strides = array<i32>} : memref<512x64xf32, #tpu.memory_space<vmem>>, vector<1x16xf32>,
      %swap3A_429 = vector.shape_cast %swap3A_428 : vector<1x16xf32> to vector<16xf32>
      %swap3A_430 = vector.shape_cast %add3A_425 : vector<16xf32> to vector<1x16xf32>
      tpu.vector_store %arg7[%swap3A_426, %swap3A_427], %swap3A_430 {strides = array<i32>} : memref<512x64xf32, #tpu.memory_space<vmem>>, vector<1x16xf32>,
      %get3A_431 = arith.index_cast %scan3A_416 : i32 to index
      %get3A_432 = arith.constant 16 : index
      %get3A_433 = tpu.vector_load %arg7[%get3A_431, %get3A_432] {strides = array<i32>} : memref<512x64xf32, #tpu.memory_space<vmem>>, vector<1x16xf32>,
      %get3A_434 = vector.shape_cast %get3A_433 : vector<1x16xf32> to vector<16xf32>
      %get3A_435 = arith.index_cast %scan3A_416 : i32 to index
      %get3A_436 = arith.constant 16 : index
      %get3A_437 = tpu.vector_load %arg8[%get3A_435, %get3A_436] {strides = array<i32>} : memref<512x64xf32, #tpu.memory_space<vmem>>, vector<1x16xf32>,
      %get3A_438 = vector.shape_cast %get3A_437 : vector<1x16xf32> to vector<16xf32>
      %add3A_439 = arith.addf %get3A_434, %get3A_438 : vector<16xf32>
      %swap3A_440 = arith.index_cast %scan3A_416 : i32 to index
      %swap3A_441 = arith.constant 16 : index
      %swap3A_442 = tpu.vector_load %arg7[%swap3A_440, %swap3A_441] {strides = array<i32>} : memref<512x64xf32, #tpu.memory_space<vmem>>, vector<1x16xf32>,
      %swap3A_443 = vector.shape_cast %swap3A_442 : vector<1x16xf32> to vector<16xf32>
      %swap3A_444 = vector.shape_cast %add3A_439 : vector<16xf32> to vector<1x16xf32>
      tpu.vector_store %arg7[%swap3A_440, %swap3A_441], %swap3A_444 {strides = array<i32>} : memref<512x64xf32, #tpu.memory_space<vmem>>, vector<1x16xf32>,
      %get3A_445 = arith.index_cast %scan3A_416 : i32 to index
      %get3A_446 = arith.constant 32 : index
      %get3A_447 = tpu.vector_load %arg7[%get3A_445, %get3A_446] {strides = array<i32>} : memref<512x64xf32, #tpu.memory_space<vmem>>, vector<1x16xf32>,
      %get3A_448 = vector.shape_cast %get3A_447 : vector<1x16xf32> to vector<16xf32>
      %get3A_449 = arith.index_cast %scan3A_416 : i32 to index
      %get3A_450 = arith.constant 32 : index
      %get3A_451 = tpu.vector_load %arg8[%get3A_449, %get3A_450] {strides = array<i32>} : memref<512x64xf32, #tpu.memory_space<vmem>>, vector<1x16xf32>,
      %get3A_452 = vector.shape_cast %get3A_451 : vector<1x16xf32> to vector<16xf32>
      %add3A_453 = arith.addf %get3A_448, %get3A_452 : vector<16xf32>
      %swap3A_454 = arith.index_cast %scan3A_416 : i32 to index
      %swap3A_455 = arith.constant 32 : index
      %swap3A_456 = tpu.vector_load %arg7[%swap3A_454, %swap3A_455] {strides = array<i32>} : memref<512x64xf32, #tpu.memory_space<vmem>>, vector<1x16xf32>,
      %swap3A_457 = vector.shape_cast %swap3A_456 : vector<1x16xf32> to vector<16xf32>
      %swap3A_458 = vector.shape_cast %add3A_453 : vector<16xf32> to vector<1x16xf32>
      tpu.vector_store %arg7[%swap3A_454, %swap3A_455], %swap3A_458 {strides = array<i32>} : memref<512x64xf32, #tpu.memory_space<vmem>>, vector<1x16xf32>,
      %get3A_459 = arith.index_cast %scan3A_416 : i32 to index
      %get3A_460 = arith.constant 48 : index
      %get3A_461 = tpu.vector_load %arg7[%get3A_459, %get3A_460] {strides = array<i32>} : memref<512x64xf32, #tpu.memory_space<vmem>>, vector<1x16xf32>,
      %get3A_462 = vector.shape_cast %get3A_461 : vector<1x16xf32> to vector<16xf32>
      %get3A_463 = arith.index_cast %scan3A_416 : i32 to index
      %get3A_464 = arith.constant 48 : index
      %get3A_465 = tpu.vector_load %arg8[%get3A_463, %get3A_464] {strides = array<i32>} : memref<512x64xf32, #tpu.memory_space<vmem>>, vector<1x16xf32>,
      %get3A_466 = vector.shape_cast %get3A_465 : vector<1x16xf32> to vector<16xf32>
      %add3A_467 = arith.addf %get3A_462, %get3A_466 : vector<16xf32>
      %swap3A_468 = arith.index_cast %scan3A_416 : i32 to index
      %swap3A_469 = arith.constant 48 : index
      %swap3A_470 = tpu.vector_load %arg7[%swap3A_468, %swap3A_469] {strides = array<i32>} : memref<512x64xf32, #tpu.memory_space<vmem>>, vector<1x16xf32>,
      %swap3A_471 = vector.shape_cast %swap3A_470 : vector<1x16xf32> to vector<16xf32>
      %swap3A_472 = vector.shape_cast %add3A_467 : vector<16xf32> to vector<1x16xf32>
      tpu.vector_store %arg7[%swap3A_468, %swap3A_469], %swap3A_472 {strides = array<i32>} : memref<512x64xf32, #tpu.memory_space<vmem>>, vector<1x16xf32>,
    }
    %scan3A_11 = arith.constant 512 : i32
    "tpu.region"() ({
      %run_scoped3A = tpu.sem_alloc : memref<!tpu.dma_semaphore, #tpu.memory_space<semaphore_mem>>
      %dma_start3A_12 = arith.constant 0 : i32
      %dma_start3A_13 = tpu.memref_slice %arg5[%mul3A_2, %dma_start3A_12] : memref<16384x64xf32, #tpu.memory_space<hbm>> -> memref<512x64xf32, #tpu.memory_space<hbm>>
      %dma_start3A_14 = arith.constant 0 : i32
      %dma_start3A_15 = tpu.memref_slice %arg5[%mul3A_2, %dma_start3A_14] : memref<16384x64xf32, #tpu.memory_space<hbm>> -> memref<512x64xf32, #tpu.memory_space<hbm>>
      tpu.enqueue_dma source(%arg7 : memref<512x64xf32, #tpu.memory_space<vmem>>) target(%dma_start3A_15 : memref<512x64xf32, #tpu.memory_space<hbm>>) target_semaphore(%run_scoped3A : memref<!tpu.dma_semaphore, #tpu.memory_space<semaphore_mem>>)
      %dma_wait3A_16 = arith.constant 0 : i32
      %dma_wait3A_17 = tpu.memref_slice %arg5[%mul3A_2, %dma_wait3A_16] : memref<16384x64xf32, #tpu.memory_space<hbm>> -> memref<512x64xf32, #tpu.memory_space<hbm>>
      %dma_wait3A_18 = arith.constant 0 : i32
      %dma_wait3A_19 = tpu.memref_slice %arg5[%mul3A_2, %dma_wait3A_18] : memref<16384x64xf32, #tpu.memory_space<hbm>> -> memref<512x64xf32, #tpu.memory_space<hbm>>
      tpu.wait_dma2 semaphore(%run_scoped3A : memref<!tpu.dma_semaphore, #tpu.memory_space<semaphore_mem>>) src(%arg7 : memref<512x64xf32, #tpu.memory_space<vmem>>) dst(%dma_wait3A_19 : memref<512x64xf32, #tpu.memory_space<hbm>>)
      tpu.yield
    }) : () -> ()
    return
  }
}

</mosaic_0001>

<sc_bundles>
// kernel: kernel.4.cloned.1.call-start
scs
__scs_entry_jumppad:
0x0: {  	(pc) =	sbr.rel $0x88, $3  }
0x1: {  	(tag) =	ssettag $0x0;
	lr =	simm.s32 $0x1  }
0x2: {  	[smem:$0x3F9E] =	sst lr;
	_ =	strace $0xD0000000  }
0x3: {  	_ = 	snop  }
0x4: {  	_ = 	snop  }
0x5: {  	_ = 	snop  }
0x6: {  	_ = 	snop  }
0x7: {  	_ = 	snop  }
__scs_overlays_trampoline_lowered:
0x8: {  	[smem:$0x3FAD] =	sst s0  }
0x9: {  	[smem:$0x3FAE] =	sst s1  }
0xa: {  	[smem:$0x3FAF] =	sst s2  }
0xb: {  	[smem:$0x3FB0] =	sst s3  }
0xc: {  	[smem:$0x3FB1] =	sst s4  }
0xd: {  	[smem:$0x3FB2] =	sst s5  }
0xe: {  	[smem:$0x3FB3] =	sst s6  }
0xf: {  	[smem:$0x3FB4] =	sst s7  }
0x10: {  	[smem:$0x3FB5] =	sst s8  }
0x11: {  	[smem:$0x3FB6] =	sst s9;
	s0 =	simm.s32 @!p0 $0x0  }
0x12: {  	s1 =	sld [smem:$0x3F9C];
	s0 =	simm.s32 @p0 $0x1  }
0x13: {  	[smem:$0x3FB7] =	sst s0;
	s0 =	simm.s32 @!p1 $0x0  }
0x14: {  	s2 =	sld [smem:$0x3F9B];
	s0 =	simm.s32 @p1 $0x1  }
0x15: {  	[smem:$0x3FB8] =	sst s0;
	s0 =	simm.s32 @!p2 $0x0  }
0x16: {  	s3 =	sld [smem:$0x3FDB];
	s0 =	simm.s32 @p2 $0x1  }
0x17: {  	s4 =	simm.s32 $0x1BF5;
	[smem:$0x3FBA] =	sst s0  }
0x18: {  	s0 =	sld [smem:$0x3F9D];
	_ =	swait.ge [sflag:s4], $0x0  }
0x19: {  	s7 =	sld [smem:$0x3F9E]  }
0x1a: {  	s8 =	sadd.s32 $0xFFFFE003, lr  }
0x1b: {  	s9 =	sadd.s32 $0xFFFFFEF7, lr;
	s5 =	simm.s32 $0xFFFFFFFF;
	p2 =	slt.u32 s8, $0xFFFFF086  }
0x1c: {  	p1 =	slt.u32 s9, $0xF7A;
	s5 =	simm.s32 @!p2 $0x0  }
0x1d: {  	s5 =	simm.s32 @p1 $0x1;
	p0 =	seq.s32 s7, s2  }
0x1e: {  	s7 =	smul.u32 @!p0 $0xF7A, s2;
	p2 =	seq.s32 @!p0 s5, $0x0  }
0x1f: {  	s9 =	smul.u32 $0xF7A, s1;
	s8 =	simm.s32 @!p0 $0x1BF5;
	p2 =	por !p2, p0  }
0x20: {  	[sflag:s8] =	ssyncset.s32 @!p0 $0xFFFFF086;
	s6 =	sadd.s32 @!p0 s3, s7;
	s7 =	simm.s32 @!p0 $0x108  }
0x21: {  	s3 =	sadd.s32 s3, s9;
	s6 =	sadd.s32 @!p0 $0x88, s6;
	s7 =	simm.s32 @p2 $0x1082  }
0x22: {  	[simem:s7], [sflag:s8] =	dma.local @!p0 [hbm:s6], $0xF7A  }
0x23: {  	s9 =	sor.u32 $0xD0000000, s2;
	s6 =	simm.s32 $0x108;
	_ =	swait.ge @!p0 [sflag:s8], $0x0  }
0x24: {  	s3 =	sadd.s32 $0x88, s3;
	s6 =	simm.s32 @!p1 $0x1082;
	[sflag:s4] =	ssyncset.s32 $0xFFFFF086  }
0x25: {  	[simem:s6], [sflag:s4] =	dma.local [hbm:s3], $0xF7A  }
0x26: {  	[smem:$0x3F9E] =	sst s1;
	(tag) =	ssettag s2;
	_ =	strace s9  }
0x27: {  	s1 =	sld [smem:$0x3FAE]  }
0x28: {  	s2 =	sld [smem:$0x3FAF]  }
0x29: {  	s4 =	sld [smem:$0x3FB1]  }
0x2a: {  	p0 =	seq.s32 s5, $0x0;
	s5 =	sld [smem:$0x3FB2]  }
0x2b: {  	s6 =	sld [smem:$0x3FB3]  }
0x2c: {  	s7 =	sld [smem:$0x3FB4]  }
0x2d: {  	s3 =	simm.s32 $0x108;
	s8 =	sld [smem:$0x3FB5]  }
0x2e: {  	s3 =	simm.s32 @!p0 $0x1082;
	s9 =	sld [smem:$0x3FB6]  }
0x2f: {  	lr =	sadd.s32 s0, s3;
	s0 =	sld [smem:$0x3FAD]  }
0x30: {  	s3 =	sld [smem:$0x3FB0]  }
0x31: {  	[smem:$0x3FB9] =	sst s10  }
0x32: {  	s10 =	sld [smem:$0x3FB7];
	_ =	sdelay $0x3  }
0x33: {  	p0 =	seq.s32 s10, $0x1;
	s10 =	sld [smem:$0x3FB9];
	_ =	sdelay $0x3  }
0x34: {  	[smem:$0x3FB9] =	sst s10  }
0x35: {  	s10 =	sld [smem:$0x3FB8];
	_ =	sdelay $0x3  }
0x36: {  	p1 =	seq.s32 s10, $0x1;
	s10 =	sld [smem:$0x3FB9];
	_ =	sdelay $0x3  }
0x37: {  	[smem:$0x3FB9] =	sst s10  }
0x38: {  	s10 =	sld [smem:$0x3FBA]  }
0x39: {  	_ = 	snop;
	(pc) =	sbr.ind lr, $3  }
0x3a: {  	_ = 	snop  }
0x3b: {  	_ = 	snop  }
0x3c: {  	p2 =	seq.s32 s10, $0x1;
	s10 =	sld [smem:$0x3FB9]  }
0x3d: {  	_ =	shalt  }
0x3e: {  	_ =	shalt  }
0x3f: {  	_ =	shalt  }
0x40: {  	_ =	shalt  }
0x41: {  	_ =	shalt  }
0x42: {  	_ =	shalt  }
0x43: {  	_ =	shalt  }
0x44: {  	_ =	shalt  }
0x45: {  	_ =	shalt  }
0x46: {  	_ =	shalt  }
0x47: {  	_ =	shalt  }
0x48: {  	_ =	shalt  }
0x49: {  	_ =	shalt  }
0x4a: {  	_ =	shalt  }
0x4b: {  	_ =	shalt  }
0x4c: {  	_ =	shalt  }
0x4d: {  	_ =	shalt  }
0x4e: {  	_ =	shalt  }
0x4f: {  	_ =	shalt  }
0x50: {  	_ =	shalt  }
0x51: {  	_ =	shalt  }
0x52: {  	_ =	shalt  }
0x53: {  	_ =	shalt  }
0x54: {  	_ =	shalt  }
0x55: {  	_ =	shalt  }
0x56: {  	_ =	shalt  }
0x57: {  	_ =	shalt  }
0x58: {  	_ =	shalt  }
0x59: {  	_ =	shalt  }
0x5a: {  	_ =	shalt  }
0x5b: {  	_ =	shalt  }
0x5c: {  	_ =	shalt  }
0x5d: {  	_ =	shalt  }
0x5e: {  	_ =	shalt  }
0x5f: {  	_ =	shalt  }
0x60: {  	_ =	shalt  }
0x61: {  	_ =	shalt  }
0x62: {  	_ =	shalt  }
0x63: {  	_ =	shalt  }
0x64: {  	_ =	shalt  }
0x65: {  	_ =	shalt  }
0x66: {  	_ =	shalt  }
0x67: {  	_ =	shalt  }
0x68: {  	_ =	shalt  }
0x69: {  	_ =	shalt  }
0x6a: {  	_ =	shalt  }
0x6b: {  	_ =	shalt  }
0x6c: {  	_ =	shalt  }
0x6d: {  	_ =	shalt  }
0x6e: {  	_ =	shalt  }
0x6f: {  	_ =	shalt  }
0x70: {  	_ =	shalt  }
0x71: {  	_ =	shalt  }
0x72: {  	_ =	shalt  }
0x73: {  	_ =	shalt  }
0x74: {  	_ =	shalt  }
0x75: {  	_ =	shalt  }
0x76: {  	_ =	shalt  }
0x77: {  	_ =	shalt  }
0x78: {  	_ =	shalt  }
0x79: {  	_ =	shalt  }
0x7a: {  	_ =	shalt  }
0x7b: {  	_ =	shalt  }
0x7c: {  	_ =	shalt  }
0x7d: {  	_ =	shalt  }
0x7e: {  	_ =	shalt  }
0x7f: {  	_ =	shalt  }
0x80: {  	_ =	shalt  }
0x81: {  	_ =	shalt  }
0x82: {  	_ =	shalt  }
0x83: {  	_ =	shalt  }
0x84: {  	_ =	shalt  }
0x85: {  	_ =	shalt  }
0x86: {  	_ =	shalt  }
0x87: {  	_ =	shalt  }
.Lfunc_end0:
.L_simem_size_0:
called_computation_lowered:
.L_overlay_start_0:
0x88: {  	s2 =	sld [smem:$0x3FD9]  }
0x89: {  	s3 =	sld [smem:$0x3FFE];
	_ =	sdelay $0x1  }
0x8a: {  	s1 =	srdreg.scid  }
0x8b: {  	s0 =	sand.u32 $0x1, s1  }
0x8c: {  	s17 =	sshll.u32 s0, $0xA;
	s2 =	sadd.s32 s3, s2  }
0x8d: {  	s2 =	sadd.s32 s2, s17  }
0x8e: {  	[smem:$0x3FC5] =	sst s2  }
0x8f: {  	_ = 	snop  }
0x90: {  	s2 =	sld [smem:$0x3FD0];
	(tm) =	ssettm $0x1  }
0x91: {  	s18 =	sld [smem:$0x3FFB];
	_ =	sdelay $0x3  }
0x92: {  	_ =	strace s18  }
0x93: {  	s3 =	sld [smem:$0x3FFC];
	_ =	sdelay $0x3  }
0x94: {  	_ =	strace s3  }
0x95: {  	s3 =	sld [smem:$0x3FFD];
	_ =	sdelay $0x3  }
0x96: {  	_ =	strace s3  }
0x97: {  	_ =	strace $0x8FFFFFFF  }
0x98: {  	s19 =	sld [smem:$0x3FDB];
	_ =	sdelay $0x1  }
0x99: {  	s4 =	simm.s32 $_scs_section_size  }
0x9a: {  	s5 =	simm.s32 $_size__tile_overlayer_lowered;
	s6 =	simm.s32 $_tile_overlayer_lowered  }
0x9b: {  	s22 =	simm.s32 $0x1BFF;
	s21 =	sshll.u32 s6, $0x1;
	s3 =	sadd.s32 s4, s19  }
0x9c: {  	s7 =	simm.s32 $0x0;
	s20 =	sshll.u32 s5, $0x1;
	s5 =	sadd.s32 s21, s3  }
0x9d: {  	[timem:s7], [sflag:s22] =	dma.local [hbm:s5], s20  }
0x9e: {  	_ =	swait.ge [sflag:s22], s20  }
0x9f: {  	s4 =	ssub.s32 $0x0, s20;
	[sflag:s22] =	ssyncset.done $0x0  }
0xa0: {  	[sflag:s22] =	ssyncadd.s32 s4;
	_ =	sdelay $0x1  }
0xa1: {  	s23 =	simm.s32 $0x1B8B  }
0xa2: {  	_ =	swait.ge [sflag:s23], $0x1  }
0xa3: {  	[sflag:s23] =	ssyncset.done $0x0  }
0xa4: {  	s25 =	simm.s32 $0x1B8E;
	s24 =	sld [smem:$0x3FFE];
	[sflag:s23] =	ssyncadd.s32 $0xFFFFFFFF  }
0xa5: {  	s26 =	simm.s32 $execute0_lowered;
	[smem:$0x3FD2] =	sst s25  }
0xa6: {  	s5 =	sshll.u32 s26, $0x1;
	_ =	strace $0x80000046;
	[dreg:$0x1] =	wrdreg $0xFFFFFFFF  }
0xa7: {  	s28 =	simm.s32 $_size_execute0_lowered;
	s3 =	sadd.s32 s3, s5;
	[dreg:$0x0] =	wrdreg $0x0  }
0xa8: {  	s5 =	sshll.u32 s28, $0x1;
	[dreg:$0x2] =	wrdreg s3  }
0xa9: {  	[dreg:$0x3] =	wrdreg s5  }
0xaa: {  	[dreg:$0x4] =	wrdreg $0xC0  }
0xab: {  	_ =	task [dreg:s7], $0x5FFFF  }
0xac: {  	[dreg:$0x1] =	wrdreg $0xFFFFFFFF  }
0xad: {  	[dreg:$0x0] =	wrdreg $0x60  }
0xae: {  	[dreg:$0x2] =	wrdreg s2  }
0xaf: {  	[dreg:$0x3] =	wrdreg s24  }
0xb0: {  	[dreg:$0x4] =	wrdreg $0x9  }
0xb1: {  	_ =	task.clear_ibuf [dreg:s7], $0x5FFFF;
	_ =	strace $0x90000046  }
0xb2: {  	s29 =	simm.s32 $0x9;
	_ =	strace $0x80000048  }
0xb3: {  	_ =	swait.ge [sflag:s29], $0x1  }
0xb4: {  	[sflag:s29] =	ssyncadd.s32 $0xFFFFFFFF  }
0xb5: {  	_ =	strace $0x90000048  }
0xb6: {  	_ =	sfence  }
0xb7: {  	s30 =	sld [smem:$0x0];
	_ =	sdelay $0x2  }
0xb8: {  	s31 =	sshll.u32 s1, $0xD;
	s1 =	sshrl.u32 s1, $0x2  }
0xb9: {  	s3 =	sand.u32 $0x4000, s31;
	s1 =	sadd.s32 s1, s30  }
0xba: {  	s0 =	sor.u32 s3, s0;
	s1 =	sshll.u32 s1, $0x11  }
0xbb: {  	s0 =	sor.u32 s1, s0  }
0xbc: {  	s0 =	sadd.s32 $0x8F2B, s0  }
0xbd: {  	[sflag:s0] =	ssyncadd.remote.s32 $0x1  }
0xbe: {  	_ =	sfence.sel $0xFFFF  }
0xbf: {  	[dreg:$0x0] =	wrdreg $0xFFFFFFFF;
	(pc) =	sbr.abs _section_cstart, $3  }
0xc0: {  	[dreg:$0x1] =	wrdreg $0xFFFFFFFF  }
0xc1: {  	_ =	task.clear_ibuf [dreg:s7], $0x2FFFF;
	_ =	strace $0x9FFFFFFF  }
0xc2: {  	(tm) =	ssettm $0x7FFFFFFF  }
0xc3: {  	_ =	shalt  }
tec
execute0_lowered:
.L_overlay_start_1:
0x0: {  	(tag) =	ssettag $0x1  }
0x1: {  	s1 =	srdreg.scid  }
0x2: {  	s3 =	rddreg [dreg:$0x0];
	s0 =	stileid.u32  }
0x3: {  	s8 =	rddreg [dreg:$0x1];
	s2 =	simm.s32 $0x0;
	s6 =	sand.u32 $0x1, s1  }
0x4: {  	s4 =	sshll.u32 s0, $0xA;
	s1 =	rddreg [dreg:$0x2];
	s5 =	sshll.u32 s6, $0x9  }
0x5: {  	s7 =	simm.s32 $0x1;
	[smem:$0x7FF] =	sst s2;
	s9 =	sor.u32 s5, s4  }
0x6: {  	_ =	strace $0x80000047;
	s10 =	ssub.s32 $0x2, s6;
	s4 =	sshrl.u32 s9, $0x3  }
0x7: {  	s6 =	simm.s32 $0x200;
	s4 =	sadd.s32 s3, s4;
	s3 =	simm.s32 $0x2  }
0x8: {  	[tilespmem:s2], [sflag:$0x2] =	stream.linear.gather [hbm4b:s4+s2], $0x200, $0x38;
	[tilespmem:$0x8200] =	vst v63  }
0x9: {  	s5 =	sadd.s32 $0xF43800, s8;
	s11 =	sshrl.u32 s10, $0x1;
	_ =	swait.ge [sflag:s3], $0x200  }
0xa: {  	s9 =	sshll.u32 s9, $0x3;
	s31 =	ssub.s32 s10, s11;
	[sflag:s3] =	ssyncset.done $0x0  }
0xb: {  	s8 =	sadd.s32 s9, s8;
	s9 =	smax.u32 s31, $0x1;
	[sflag:s3] =	ssyncadd.s32 $0xFFFFFE00  }
0xc: {  	[tilespmem:s6], [sflag:$0x1] =	stream.indirect.gather [hbm4b:s5+s6], $0x40, s2, s6, $0xb8;
	[tilespmem:$0x8200] =	vst v63  }
0xd: {  	p0 =	sne.s32 s9, $0x1;
	_ =	swait.ge [sflag:s7], $0x8000  }
.Ltmp0:
0xe: {  	[sflag:s7] =	ssyncset.done $0x0;
	(pc) =	sbr.rel @!p0 .LBB2_2-.Ltmp0, $4  }
0xf: {  	s8 =	sadd.s32 $0x1200, s8;
	[sflag:s7] =	ssyncadd.s32 $0xFFFF8000  }
0x10: {  	[hbm4b:s8+s2] =	stream.linear.scatter [tilespmem:s6], [sflag:$0x2], $0x8000, $0x38;
	[tilespmem:$0x8200] =	vst v63  }
0x11: {  	_ =	swait.ge [sflag:s3], $0x8000  }
0x12: {  	s9 =	sadd.s32 $0xFFFFFFFF, s9;
	[sflag:s3] =	ssyncset.done $0x0  }
.LBB2_1:
0x13: {  	p0 =	sne.s32 s9, $0x1;
	s9 =	sadd.s32 $0xFFFFFFFF, s9;
	[sflag:s3] =	ssyncadd.s32 $0xFFFF8000  }
0x14: {  	[tilespmem:s2], [sflag:$0x2] =	stream.linear.gather [hbm4b:s4+s2], $0x200, $0x38;
	[tilespmem:$0x8200] =	vst v63  }
0x15: {  	_ =	swait.ge [sflag:s3], $0x200  }
0x16: {  	[sflag:s3] =	ssyncset.done $0x0  }
0x17: {  	[sflag:s3] =	ssyncadd.s32 $0xFFFFFE00  }
0x18: {  	[tilespmem:s6], [sflag:$0x1] =	stream.indirect.gather [hbm4b:s5+s6], $0x40, s2, s6, $0xb8;
	[tilespmem:$0x8200] =	vst v63  }
0x19: {  	_ =	swait.ge [sflag:s7], $0x8000  }
.Ltmp1:
0x1a: {  	[sflag:s7] =	ssyncset.done $0x0;
	(pc) =	sbr.rel @p0 .LBB2_1-.Ltmp1, $4  }
0x1b: {  	[sflag:s7] =	ssyncadd.s32 $0xFFFF8000  }
0x1c: {  	[hbm4b:s8+s2] =	stream.linear.scatter [tilespmem:s6], [sflag:$0x2], $0x8000, $0x38;
	[tilespmem:$0x8200] =	vst v63  }
0x1d: {  	_ =	swait.ge [sflag:s3], $0x8000  }
0x1e: {  	[sflag:s3] =	ssyncset.done $0x0  }
.LBB2_2:
0x1f: {  	[sflag:s3] =	ssyncadd.s32 $0xFFFF8000  }
0x20: {  	_ =	sfence.sel $0x180000  }
0x21: {  	[bflag:$0x0] =	sbarrier.arrive $0xFFFF  }
0x22: {  	p0 =	sne.s32 s0, $0x0;
	_ =	strace $0x90000047  }
0x23: {  	s0 =	sadd.s32 @!p0 $0x100000, s1;
	[bflag:$0x2] =	sbarrier.arrive $0xFFFF  }
0x24: {  	[sflag:s0] =	ssyncadd.tile.s32 @!p0 $0x1;
	_ =	shalt  }
.Lfunc_end2:
_tile_overlayer_lowered:
.L_overlay_start_2:
0x25: {  	(tag) =	ssettag $0x2  }
0x26: {  	s0 =	rddreg [dreg:$0x0];
	s2 =	stileid.u32  }
0x27: {  	s1 =	rddreg [dreg:$0x1];
	p0 =	sne.s32 s2, $0x0  }
0x28: {  	s3 =	rddreg [dreg:$0x2];
	[bflag:$0x3] =	sbarrier.arrive $0xFFFF;
	s2 =	simm.s32 @!p0 $0x1C02  }
0x29: {  	[timem:s3], [sflag:s2] =	dma.local @!p0 [hbm:s0], s1  }
0x2a: {  	s0 =	simm.s32 @!p0 $0x2  }
0x2b: {  	_ =	swait.ge @!p0 [sflag:s0], s1  }
0x2c: {  	s1 =	ssub.s32 @!p0 $0x0, s1;
	[sflag:s0] =	ssyncset.done @!p0 $0x0  }
0x2d: {  	[sflag:s0] =	ssyncadd.s32 @!p0 s1  }
0x2e: {  	[bflag:$0x3] =	sbarrier.arrive $0xFFFF  }
0x2f: {  	_ =	shalt  }

// kernel: kernel.7.cloned.1.call-start
scs
__scs_entry_jumppad:
0x0: {  	(pc) =	sbr.rel $0x88, $3  }
0x1: {  	(tag) =	ssettag $0x0;
	lr =	simm.s32 $0x1  }
0x2: {  	[smem:$0x3F9E] =	sst lr;
	_ =	strace $0xD0000000  }
0x3: {  	_ = 	snop  }
0x4: {  	_ = 	snop  }
0x5: {  	_ = 	snop  }
0x6: {  	_ = 	snop  }
0x7: {  	_ = 	snop  }
__scs_overlays_trampoline_lowered:
0x8: {  	[smem:$0x3FAD] =	sst s0  }
0x9: {  	[smem:$0x3FAE] =	sst s1  }
0xa: {  	[smem:$0x3FAF] =	sst s2  }
0xb: {  	[smem:$0x3FB0] =	sst s3  }
0xc: {  	[smem:$0x3FB1] =	sst s4  }
0xd: {  	[smem:$0x3FB2] =	sst s5  }
0xe: {  	[smem:$0x3FB3] =	sst s6  }
0xf: {  	[smem:$0x3FB4] =	sst s7  }
0x10: {  	[smem:$0x3FB5] =	sst s8  }
0x11: {  	[smem:$0x3FB6] =	sst s9;
	s0 =	simm.s32 @!p0 $0x0  }
0x12: {  	s1 =	sld [smem:$0x3F9C];
	s0 =	simm.s32 @p0 $0x1  }
0x13: {  	[smem:$0x3FB7] =	sst s0;
	s0 =	simm.s32 @!p1 $0x0  }
0x14: {  	s2 =	sld [smem:$0x3F9B];
	s0 =	simm.s32 @p1 $0x1  }
0x15: {  	[smem:$0x3FB8] =	sst s0;
	s0 =	simm.s32 @!p2 $0x0  }
0x16: {  	s3 =	sld [smem:$0x3FDB];
	s0 =	simm.s32 @p2 $0x1  }
0x17: {  	s4 =	simm.s32 $0x1BF5;
	[smem:$0x3FBA] =	sst s0  }
0x18: {  	s0 =	sld [smem:$0x3F9D];
	_ =	swait.ge [sflag:s4], $0x0  }
0x19: {  	s7 =	sld [smem:$0x3F9E]  }
0x1a: {  	s8 =	sadd.s32 $0xFFFFE003, lr  }
0x1b: {  	s9 =	sadd.s32 $0xFFFFFEF7, lr;
	s5 =	simm.s32 $0xFFFFFFFF;
	p2 =	slt.u32 s8, $0xFFFFF086  }
0x1c: {  	p1 =	slt.u32 s9, $0xF7A;
	s5 =	simm.s32 @!p2 $0x0  }
0x1d: {  	s5 =	simm.s32 @p1 $0x1;
	p0 =	seq.s32 s7, s2  }
0x1e: {  	s7 =	smul.u32 @!p0 $0xF7A, s2;
	p2 =	seq.s32 @!p0 s5, $0x0  }
0x1f: {  	s9 =	smul.u32 $0xF7A, s1;
	s8 =	simm.s32 @!p0 $0x1BF5;
	p2 =	por !p2, p0  }
0x20: {  	[sflag:s8] =	ssyncset.s32 @!p0 $0xFFFFF086;
	s6 =	sadd.s32 @!p0 s3, s7;
	s7 =	simm.s32 @!p0 $0x108  }
0x21: {  	s3 =	sadd.s32 s3, s9;
	s6 =	sadd.s32 @!p0 $0x88, s6;
	s7 =	simm.s32 @p2 $0x1082  }
0x22: {  	[simem:s7], [sflag:s8] =	dma.local @!p0 [hbm:s6], $0xF7A  }
0x23: {  	s9 =	sor.u32 $0xD0000000, s2;
	s6 =	simm.s32 $0x108;
	_ =	swait.ge @!p0 [sflag:s8], $0x0  }
0x24: {  	s3 =	sadd.s32 $0x88, s3;
	s6 =	simm.s32 @!p1 $0x1082;
	[sflag:s4] =	ssyncset.s32 $0xFFFFF086  }
0x25: {  	[simem:s6], [sflag:s4] =	dma.local [hbm:s3], $0xF7A  }
0x26: {  	[smem:$0x3F9E] =	sst s1;
	(tag) =	ssettag s2;
	_ =	strace s9  }
0x27: {  	s1 =	sld [smem:$0x3FAE]  }
0x28: {  	s2 =	sld [smem:$0x3FAF]  }
0x29: {  	s4 =	sld [smem:$0x3FB1]  }
0x2a: {  	p0 =	seq.s32 s5, $0x0;
	s5 =	sld [smem:$0x3FB2]  }
0x2b: {  	s6 =	sld [smem:$0x3FB3]  }
0x2c: {  	s7 =	sld [smem:$0x3FB4]  }
0x2d: {  	s3 =	simm.s32 $0x108;
	s8 =	sld [smem:$0x3FB5]  }
0x2e: {  	s3 =	simm.s32 @!p0 $0x1082;
	s9 =	sld [smem:$0x3FB6]  }
0x2f: {  	lr =	sadd.s32 s0, s3;
	s0 =	sld [smem:$0x3FAD]  }
0x30: {  	s3 =	sld [smem:$0x3FB0]  }
0x31: {  	[smem:$0x3FB9] =	sst s10  }
0x32: {  	s10 =	sld [smem:$0x3FB7];
	_ =	sdelay $0x3  }
0x33: {  	p0 =	seq.s32 s10, $0x1;
	s10 =	sld [smem:$0x3FB9];
	_ =	sdelay $0x3  }
0x34: {  	[smem:$0x3FB9] =	sst s10  }
0x35: {  	s10 =	sld [smem:$0x3FB8];
	_ =	sdelay $0x3  }
0x36: {  	p1 =	seq.s32 s10, $0x1;
	s10 =	sld [smem:$0x3FB9];
	_ =	sdelay $0x3  }
0x37: {  	[smem:$0x3FB9] =	sst s10  }
0x38: {  	s10 =	sld [smem:$0x3FBA]  }
0x39: {  	_ = 	snop;
	(pc) =	sbr.ind lr, $3  }
0x3a: {  	_ = 	snop  }
0x3b: {  	_ = 	snop  }
0x3c: {  	p2 =	seq.s32 s10, $0x1;
	s10 =	sld [smem:$0x3FB9]  }
0x3d: {  	_ =	shalt  }
0x3e: {  	_ =	shalt  }
0x3f: {  	_ =	shalt  }
0x40: {  	_ =	shalt  }
0x41: {  	_ =	shalt  }
0x42: {  	_ =	shalt  }
0x43: {  	_ =	shalt  }
0x44: {  	_ =	shalt  }
0x45: {  	_ =	shalt  }
0x46: {  	_ =	shalt  }
0x47: {  	_ =	shalt  }
0x48: {  	_ =	shalt  }
0x49: {  	_ =	shalt  }
0x4a: {  	_ =	shalt  }
0x4b: {  	_ =	shalt  }
0x4c: {  	_ =	shalt  }
0x4d: {  	_ =	shalt  }
0x4e: {  	_ =	shalt  }
0x4f: {  	_ =	shalt  }
0x50: {  	_ =	shalt  }
0x51: {  	_ =	shalt  }
0x52: {  	_ =	shalt  }
0x53: {  	_ =	shalt  }
0x54: {  	_ =	shalt  }
0x55: {  	_ =	shalt  }
0x56: {  	_ =	shalt  }
0x57: {  	_ =	shalt  }
0x58: {  	_ =	shalt  }
0x59: {  	_ =	shalt  }
0x5a: {  	_ =	shalt  }
0x5b: {  	_ =	shalt  }
0x5c: {  	_ =	shalt  }
0x5d: {  	_ =	shalt  }
0x5e: {  	_ =	shalt  }
0x5f: {  	_ =	shalt  }
0x60: {  	_ =	shalt  }
0x61: {  	_ =	shalt  }
0x62: {  	_ =	shalt  }
0x63: {  	_ =	shalt  }
0x64: {  	_ =	shalt  }
0x65: {  	_ =	shalt  }
0x66: {  	_ =	shalt  }
0x67: {  	_ =	shalt  }
0x68: {  	_ =	shalt  }
0x69: {  	_ =	shalt  }
0x6a: {  	_ =	shalt  }
0x6b: {  	_ =	shalt  }
0x6c: {  	_ =	shalt  }
0x6d: {  	_ =	shalt  }
0x6e: {  	_ =	shalt  }
0x6f: {  	_ =	shalt  }
0x70: {  	_ =	shalt  }
0x71: {  	_ =	shalt  }
0x72: {  	_ =	shalt  }
0x73: {  	_ =	shalt  }
0x74: {  	_ =	shalt  }
0x75: {  	_ =	shalt  }
0x76: {  	_ =	shalt  }
0x77: {  	_ =	shalt  }
0x78: {  	_ =	shalt  }
0x79: {  	_ =	shalt  }
0x7a: {  	_ =	shalt  }
0x7b: {  	_ =	shalt  }
0x7c: {  	_ =	shalt  }
0x7d: {  	_ =	shalt  }
0x7e: {  	_ =	shalt  }
0x7f: {  	_ =	shalt  }
0x80: {  	_ =	shalt  }
0x81: {  	_ =	shalt  }
0x82: {  	_ =	shalt  }
0x83: {  	_ =	shalt  }
0x84: {  	_ =	shalt  }
0x85: {  	_ =	shalt  }
0x86: {  	_ =	shalt  }
0x87: {  	_ =	shalt  }
.Lfunc_end0:
.L_simem_size_0:
called_computation.1_lowered:
.L_overlay_start_0:
0x88: {  	s2 =	sld [smem:$0x3FD9]  }
0x89: {  	s3 =	sld [smem:$0x3FFE];
	_ =	sdelay $0x1  }
0x8a: {  	s1 =	srdreg.scid  }
0x8b: {  	s0 =	sand.u32 $0x1, s1  }
0x8c: {  	s17 =	sshll.u32 s0, $0xA;
	s2 =	sadd.s32 s3, s2  }
0x8d: {  	s2 =	sadd.s32 s2, s17  }
0x8e: {  	[smem:$0x3FC5] =	sst s2  }
0x8f: {  	_ = 	snop  }
0x90: {  	s2 =	sld [smem:$0x3FD0];
	(tm) =	ssettm $0x1  }
0x91: {  	s18 =	sld [smem:$0x3FFB];
	_ =	sdelay $0x3  }
0x92: {  	_ =	strace s18  }
0x93: {  	s3 =	sld [smem:$0x3FFC];
	_ =	sdelay $0x3  }
0x94: {  	_ =	strace s3  }
0x95: {  	s3 =	sld [smem:$0x3FFD];
	_ =	sdelay $0x3  }
0x96: {  	_ =	strace s3  }
0x97: {  	_ =	strace $0x8FFFFFFF  }
0x98: {  	s19 =	sld [smem:$0x3FDB];
	_ =	sdelay $0x1  }
0x99: {  	s4 =	simm.s32 $_scs_section_size  }
0x9a: {  	s5 =	simm.s32 $_size__tile_overlayer_lowered;
	s6 =	simm.s32 $_tile_overlayer_lowered  }
0x9b: {  	s22 =	simm.s32 $0x1BFF;
	s21 =	sshll.u32 s6, $0x1;
	s3 =	sadd.s32 s4, s19  }
0x9c: {  	s7 =	simm.s32 $0x0;
	s20 =	sshll.u32 s5, $0x1;
	s5 =	sadd.s32 s21, s3  }
0x9d: {  	[timem:s7], [sflag:s22] =	dma.local [hbm:s5], s20  }
0x9e: {  	_ =	swait.ge [sflag:s22], s20  }
0x9f: {  	s4 =	ssub.s32 $0x0, s20;
	[sflag:s22] =	ssyncset.done $0x0  }
0xa0: {  	[sflag:s22] =	ssyncadd.s32 s4;
	_ =	sdelay $0x1  }
0xa1: {  	s23 =	simm.s32 $0x1B8B  }
0xa2: {  	_ =	swait.ge [sflag:s23], $0x1  }
0xa3: {  	[sflag:s23] =	ssyncset.done $0x0  }
0xa4: {  	s25 =	simm.s32 $0x1B8E;
	s24 =	sld [smem:$0x3FFE];
	[sflag:s23] =	ssyncadd.s32 $0xFFFFFFFF  }
0xa5: {  	s26 =	simm.s32 $execute0_lowered;
	[smem:$0x3FD2] =	sst s25  }
0xa6: {  	s5 =	sshll.u32 s26, $0x1;
	_ =	strace $0x80000049;
	[dreg:$0x1] =	wrdreg $0xFFFFFFFF  }
0xa7: {  	s28 =	simm.s32 $_size_execute0_lowered;
	s3 =	sadd.s32 s3, s5;
	[dreg:$0x0] =	wrdreg $0x0  }
0xa8: {  	s5 =	sshll.u32 s28, $0x1;
	[dreg:$0x2] =	wrdreg s3  }
0xa9: {  	[dreg:$0x3] =	wrdreg s5  }
0xaa: {  	[dreg:$0x4] =	wrdreg $0xC0  }
0xab: {  	_ =	task [dreg:s7], $0x5FFFF  }
0xac: {  	[dreg:$0x1] =	wrdreg $0xFFFFFFFF  }
0xad: {  	[dreg:$0x0] =	wrdreg $0x60  }
0xae: {  	[dreg:$0x2] =	wrdreg s24  }
0xaf: {  	[dreg:$0x3] =	wrdreg s2  }
0xb0: {  	[dreg:$0x4] =	wrdreg $0x9  }
0xb1: {  	_ =	task.clear_ibuf [dreg:s7], $0x5FFFF;
	_ =	strace $0x90000049  }
0xb2: {  	s29 =	simm.s32 $0x9;
	_ =	strace $0x8000004B  }
0xb3: {  	_ =	swait.ge [sflag:s29], $0x1  }
0xb4: {  	[sflag:s29] =	ssyncadd.s32 $0xFFFFFFFF  }
0xb5: {  	_ =	strace $0x9000004B  }
0xb6: {  	_ =	sfence  }
0xb7: {  	s30 =	sld [smem:$0x0];
	_ =	sdelay $0x2  }
0xb8: {  	s31 =	sshll.u32 s1, $0xD;
	s1 =	sshrl.u32 s1, $0x2  }
0xb9: {  	s3 =	sand.u32 $0x4000, s31;
	s1 =	sadd.s32 s1, s30  }
0xba: {  	s0 =	sor.u32 s3, s0;
	s1 =	sshll.u32 s1, $0x11  }
0xbb: {  	s0 =	sor.u32 s1, s0  }
0xbc: {  	s0 =	sadd.s32 $0x8F2B, s0  }
0xbd: {  	[sflag:s0] =	ssyncadd.remote.s32 $0x1  }
0xbe: {  	_ =	sfence.sel $0xFFFF  }
0xbf: {  	[dreg:$0x0] =	wrdreg $0xFFFFFFFF;
	(pc) =	sbr.abs _section_cstart, $3  }
0xc0: {  	[dreg:$0x1] =	wrdreg $0xFFFFFFFF  }
0xc1: {  	_ =	task.clear_ibuf [dreg:s7], $0x2FFFF;
	_ =	strace $0x9FFFFFFF  }
0xc2: {  	(tm) =	ssettm $0x7FFFFFFF  }
0xc3: {  	_ =	shalt  }
tec
execute0_lowered:
.L_overlay_start_1:
0x0: {  	(tag) =	ssettag $0x1  }
0x1: {  	s4 =	rddreg [dreg:$0x0]  }
0x2: {  	s6 =	rddreg [dreg:$0x1];
	s2 =	srdreg.scid  }
0x3: {  	s0 =	rddreg [dreg:$0x2];
	s1 =	stileid.u32  }
0x4: {  	s11 =	simm.s32 $0x1;
	s12 =	simm.s32 $0x0;
	s3 =	sand.u32 $0x1, s2  }
0x5: {  	s2 =	simm.s32 $0x0;
	s5 =	sshll.u32 s1, $0xA;
	s7 =	sshll.u32 s3, $0x9  }
0x6: {  	[smem:$0x7FF] =	sst s2;
	s8 =	ssub.s32 $0x2, s3;
	s3 =	sadd.s32 $0x21200, s4  }
0x7: {  	s5 =	sor.u32 s7, s5;
	_ =	strace $0x8000004A;
	s31 =	sshrl.u32 s8, $0x1  }
0x8: {  	s7 =	sshrl.u32 s5, $0x3;
	s9 =	sshll.u32 s5, $0x3;
	s8 =	ssub.s32 s8, s31  }
0x9: {  	s7 =	sadd.s32 s7, s4;
	s10 =	sadd.s32 s9, s4;
	s6 =	sadd.s32 s6, s9  }
0xa: {  	s9 =	simm.s32 $0x200;
	s4 =	sadd.s32 $0xA00, s7;
	s5 =	sadd.s32 $0x1200, s10  }
0xb: {  	s7 =	smax.u32 s8, $0x1;
	s8 =	simm.s32 $0x2;
	s10 =	simm.s32 $0x8200  }
.LBB2_1:
0xc: {  	[tilespmem:s2], [sflag:$0x2] =	stream.linear.gather [hbm4b:s4+s2], $0x200, $0x38;
	[tilespmem:$0x10200] =	vst v63  }
0xd: {  	_ =	swait.ge [sflag:s8], $0x200  }
0xe: {  	[sflag:s8] =	ssyncset.done $0x0  }
0xf: {  	[sflag:s8] =	ssyncadd.s32 $0xFFFFFE00  }
0x10: {  	[tilespmem:s9], [sflag:$0x1] =	stream.indirect.gather [hbm4b:s3+s9], $0x40, s2, s9, $0xb8;
	[tilespmem:$0x10200] =	vst v63  }
0x11: {  	_ = 	snop  }
0x12: {  	[tilespmem:s10], [sflag:$0x2] =	stream.linear.gather [hbm4b:s5+s2], $0x8000, $0x38;
	[tilespmem:$0x10200] =	vst v63  }
0x13: {  	_ =	swait.ge [sflag:s8], $0x8000  }
0x14: {  	[sflag:s8] =	ssyncset.done $0x0  }
0x15: {  	[sflag:s8] =	ssyncadd.s32 $0xFFFF8000  }
0x16: {  	_ =	swait.ge [sflag:s11], $0x8000  }
0x17: {  	[sflag:s11] =	ssyncset.done $0x0  }
0x18: {  	s13 =	simm.s32 $0x300;
	[sflag:s11] =	ssyncadd.s32 $0xFFFF8000  }
0x19: {  	s14 =	simm.s32 $0x8300;
	v0 =	vld [tilespmem:s13+$0xFFFFFF00]  }
0x1a: {  	v1 =	vld [tilespmem:s14+$0xFFFFFF00];
	_ =	sdelay $0x4  }
0x1b: {  	v0 =	vadd.f32 v1, v0;
	_ =	sdelay $0x1  }
0x1c: {  	[tilespmem:s13+$0xFFFFFF00] =	vst v0;
	v0 =	vld [tilespmem:s13+$0xFFFFFF10]  }
0x1d: {  	v1 =	vld [tilespmem:s14+$0xFFFFFF10];
	_ =	sdelay $0x4  }
0x1e: {  	v0 =	vadd.f32 v1, v0;
	_ =	sdelay $0x1  }
0x1f: {  	[tilespmem:s13+$0xFFFFFF10] =	vst v0;
	v0 =	vld [tilespmem:s13+$0xFFFFFF20]  }
0x20: {  	v1 =	vld [tilespmem:s14+$0xFFFFFF20];
	_ =	sdelay $0x4  }
0x21: {  	v0 =	vadd.f32 v1, v0;
	_ =	sdelay $0x1  }
0x22: {  	[tilespmem:s13+$0xFFFFFF20] =	vst v0;
	v0 =	vld [tilespmem:s13+$0xFFFFFF30]  }
0x23: {  	v1 =	vld [tilespmem:s14+$0xFFFFFF30];
	_ =	sdelay $0x4  }
0x24: {  	v0 =	vadd.f32 v1, v0;
	_ =	sdelay $0x1  }
0x25: {  	[tilespmem:s13+$0xFFFFFF30] =	vst v0;
	v0 =	vld [tilespmem:s13+$0xFFFFFF40]  }
0x26: {  	v1 =	vld [tilespmem:s14+$0xFFFFFF40];
	_ =	sdelay $0x4  }
0x27: {  	v0 =	vadd.f32 v1, v0;
	_ =	sdelay $0x1  }
0x28: {  	[tilespmem:s13+$0xFFFFFF40] =	vst v0;
	v0 =	vld [tilespmem:s13+$0xFFFFFF50]  }
0x29: {  	v1 =	vld [tilespmem:s14+$0xFFFFFF50];
	_ =	sdelay $0x4  }
0x2a: {  	v0 =	vadd.f32 v1, v0;
	_ =	sdelay $0x1  }
0x2b: {  	[tilespmem:s13+$0xFFFFFF50] =	vst v0;
	v0 =	vld [tilespmem:s13+$0xFFFFFF60]  }
0x2c: {  	v1 =	vld [tilespmem:s14+$0xFFFFFF60];
	_ =	sdelay $0x4  }
0x2d: {  	v0 =	vadd.f32 v1, v0;
	_ =	sdelay $0x1  }
0x2e: {  	[tilespmem:s13+$0xFFFFFF60] =	vst v0;
	v0 =	vld [tilespmem:s13+$0xFFFFFF70]  }
0x2f: {  	v1 =	vld [tilespmem:s14+$0xFFFFFF70];
	_ =	sdelay $0x4  }
0x30: {  	v0 =	vadd.f32 v1, v0;
	_ =	sdelay $0x1  }
0x31: {  	[tilespmem:s13+$0xFFFFFF70] =	vst v0;
	v0 =	vld [tilespmem:s13+$0xFFFFFF80]  }
0x32: {  	v1 =	vld [tilespmem:s14+$0xFFFFFF80];
	_ =	sdelay $0x4  }
0x33: {  	v0 =	vadd.f32 v1, v0;
	_ =	sdelay $0x1  }
0x34: {  	[tilespmem:s13+$0xFFFFFF80] =	vst v0;
	v0 =	vld [tilespmem:s13+$0xFFFFFF90]  }
0x35: {  	v1 =	vld [tilespmem:s14+$0xFFFFFF90];
	_ =	sdelay $0x4  }
0x36: {  	v0 =	vadd.f32 v1, v0;
	_ =	sdelay $0x1  }
0x37: {  	[tilespmem:s13+$0xFFFFFF90] =	vst v0;
	v0 =	vld [tilespmem:s13+$0xFFFFFFA0]  }
0x38: {  	v1 =	vld [tilespmem:s14+$0xFFFFFFA0];
	_ =	sdelay $0x4  }
0x39: {  	v0 =	vadd.f32 v1, v0;
	_ =	sdelay $0x1  }
0x3a: {  	[tilespmem:s13+$0xFFFFFFA0] =	vst v0;
	v0 =	vld [tilespmem:s13+$0xFFFFFFB0]  }
0x3b: {  	v1 =	vld [tilespmem:s14+$0xFFFFFFB0];
	_ =	sdelay $0x4  }
0x3c: {  	v0 =	vadd.f32 v1, v0;
	_ =	sdelay $0x1  }
0x3d: {  	[tilespmem:s13+$0xFFFFFFB0] =	vst v0;
	v0 =	vld [tilespmem:s13+$0xFFFFFFC0]  }
0x3e: {  	v1 =	vld [tilespmem:s14+$0xFFFFFFC0];
	_ =	sdelay $0x4  }
0x3f: {  	v0 =	vadd.f32 v1, v0;
	_ =	sdelay $0x1  }
0x40: {  	[tilespmem:s13+$0xFFFFFFC0] =	vst v0;
	v0 =	vld [tilespmem:s13+$0xFFFFFFD0]  }
0x41: {  	v1 =	vld [tilespmem:s14+$0xFFFFFFD0];
	_ =	sdelay $0x4  }
0x42: {  	v0 =	vadd.f32 v1, v0;
	_ =	sdelay $0x1  }
0x43: {  	[tilespmem:s13+$0xFFFFFFD0] =	vst v0;
	v0 =	vld [tilespmem:s13+$0xFFFFFFE0]  }
0x44: {  	v1 =	vld [tilespmem:s14+$0xFFFFFFE0];
	_ =	sdelay $0x4  }
0x45: {  	v0 =	vadd.f32 v1, v0;
	_ =	sdelay $0x1  }
0x46: {  	[tilespmem:s13+$0xFFFFFFE0] =	vst v0;
	v0 =	vld [tilespmem:s13+$0xFFFFFFF0]  }
0x47: {  	v1 =	vld [tilespmem:s14+$0xFFFFFFF0];
	_ =	sdelay $0x4  }
0x48: {  	v0 =	vadd.f32 v1, v0;
	_ =	sdelay $0x1  }
0x49: {  	[tilespmem:s13+$0xFFFFFFF0] =	vst v0;
	v0 =	vld [tilespmem:s13+$0x0]  }
0x4a: {  	v1 =	vld [tilespmem:s14+$0x0];
	_ =	sdelay $0x4  }
0x4b: {  	v0 =	vadd.f32 v1, v0;
	_ =	sdelay $0x1  }
0x4c: {  	[tilespmem:s13+$0x0] =	vst v0;
	v0 =	vld [tilespmem:s13+$0x10]  }
0x4d: {  	v1 =	vld [tilespmem:s14+$0x10];
	_ =	sdelay $0x4  }
0x4e: {  	v0 =	vadd.f32 v1, v0;
	_ =	sdelay $0x1  }
0x4f: {  	[tilespmem:s13+$0x10] =	vst v0;
	v0 =	vld [tilespmem:s13+$0x20]  }
0x50: {  	v1 =	vld [tilespmem:s14+$0x20];
	_ =	sdelay $0x4  }
0x51: {  	v0 =	vadd.f32 v1, v0;
	_ =	sdelay $0x1  }
0x52: {  	[tilespmem:s13+$0x20] =	vst v0;
	v0 =	vld [tilespmem:s13+$0x30]  }
0x53: {  	v1 =	vld [tilespmem:s14+$0x30];
	_ =	sdelay $0x4  }
0x54: {  	v0 =	vadd.f32 v1, v0;
	_ =	sdelay $0x1  }
0x55: {  	[tilespmem:s13+$0x30] =	vst v0;
	v0 =	vld [tilespmem:s13+$0x40]  }
0x56: {  	v1 =	vld [tilespmem:s14+$0x40];
	_ =	sdelay $0x4  }
0x57: {  	v0 =	vadd.f32 v1, v0;
	_ =	sdelay $0x1  }
0x58: {  	[tilespmem:s13+$0x40] =	vst v0;
	v0 =	vld [tilespmem:s13+$0x50]  }
0x59: {  	v1 =	vld [tilespmem:s14+$0x50];
	_ =	sdelay $0x4  }
0x5a: {  	v0 =	vadd.f32 v1, v0;
	_ =	sdelay $0x1  }
0x5b: {  	[tilespmem:s13+$0x50] =	vst v0;
	v0 =	vld [tilespmem:s13+$0x60]  }
0x5c: {  	v1 =	vld [tilespmem:s14+$0x60];
	_ =	sdelay $0x4  }
0x5d: {  	v0 =	vadd.f32 v1, v0;
	_ =	sdelay $0x1  }
0x5e: {  	[tilespmem:s13+$0x60] =	vst v0;
	v0 =	vld [tilespmem:s13+$0x70]  }
0x5f: {  	v1 =	vld [tilespmem:s14+$0x70];
	_ =	sdelay $0x4  }
0x60: {  	v0 =	vadd.f32 v1, v0;
	_ =	sdelay $0x1  }
0x61: {  	[tilespmem:s13+$0x70] =	vst v0;
	v0 =	vld [tilespmem:s13+$0x80]  }
0x62: {  	v1 =	vld [tilespmem:s14+$0x80];
	_ =	sdelay $0x4  }
0x63: {  	v0 =	vadd.f32 v1, v0;
	_ =	sdelay $0x1  }
0x64: {  	[tilespmem:s13+$0x80] =	vst v0;
	v0 =	vld [tilespmem:s13+$0x90]  }
0x65: {  	v1 =	vld [tilespmem:s14+$0x90];
	_ =	sdelay $0x4  }
0x66: {  	v0 =	vadd.f32 v1, v0;
	_ =	sdelay $0x1  }
0x67: {  	[tilespmem:s13+$0x90] =	vst v0;
	v0 =	vld [tilespmem:s13+$0xA0]  }
0x68: {  	v1 =	vld [tilespmem:s14+$0xA0];
	_ =	sdelay $0x4  }
0x69: {  	v0 =	vadd.f32 v1, v0;
	_ =	sdelay $0x1  }
0x6a: {  	[tilespmem:s13+$0xA0] =	vst v0;
	v0 =	vld [tilespmem:s13+$0xB0]  }
0x6b: {  	v1 =	vld [tilespmem:s14+$0xB0];
	_ =	sdelay $0x4  }
0x6c: {  	v0 =	vadd.f32 v1, v0;
	_ =	sdelay $0x1  }
0x6d: {  	[tilespmem:s13+$0xB0] =	vst v0;
	v0 =	vld [tilespmem:s13+$0xC0]  }
0x6e: {  	v1 =	vld [tilespmem:s14+$0xC0];
	_ =	sdelay $0x4  }
0x6f: {  	v0 =	vadd.f32 v1, v0;
	_ =	sdelay $0x1  }
0x70: {  	[tilespmem:s13+$0xC0] =	vst v0;
	v0 =	vld [tilespmem:s13+$0xD0]  }
0x71: {  	v1 =	vld [tilespmem:s14+$0xD0];
	_ =	sdelay $0x4  }
0x72: {  	v0 =	vadd.f32 v1, v0;
	_ =	sdelay $0x1  }
0x73: {  	[tilespmem:s13+$0xD0] =	vst v0;
	v0 =	vld [tilespmem:s13+$0xE0]  }
0x74: {  	v1 =	vld [tilespmem:s14+$0xE0];
	_ =	sdelay $0x4  }
0x75: {  	v0 =	vadd.f32 v1, v0;
	_ =	sdelay $0x1  }
0x76: {  	[tilespmem:s13+$0xE0] =	vst v0;
	v0 =	vld [tilespmem:s13+$0xF0]  }
0x77: {  	v1 =	vld [tilespmem:s14+$0xF0];
	_ =	sdelay $0x4  }
0x78: {  	v0 =	vadd.f32 v1, v0  }
0x79: {  	s15 =	simm.s32 $0x0;
	s16 =	simm.s32 $0x500  }
.LBB2_2:
0x7a: {  	v1 =	vld [tilespmem:s16+$0xFFFFFF00];
	[tilespmem:s13+$0xF0] =	vst v0;
	s14 =	sadd.s32 $0x200, s14;
	s13 =	smov.u32 s16  }
0x7b: {  	s15 =	sadd.s32 $0x8, s15;
	v0 =	vld [tilespmem:s14+$0xFFFFFF00]  }
0x7c: {  	p0 =	slt.u32 s15, $0x1F8;
	_ =	sdelay $0x3  }
0x7d: {  	v0 =	vadd.f32 v0, v1;
	_ =	sdelay $0x1  }
0x7e: {  	[tilespmem:s16+$0xFFFFFF00] =	vst v0;
	v0 =	vld [tilespmem:s16+$0xFFFFFF10]  }
0x7f: {  	v1 =	vld [tilespmem:s14+$0xFFFFFF10];
	_ =	sdelay $0x4  }
0x80: {  	v0 =	vadd.f32 v1, v0;
	_ =	sdelay $0x1  }
0x81: {  	[tilespmem:s16+$0xFFFFFF10] =	vst v0;
	v0 =	vld [tilespmem:s16+$0xFFFFFF20]  }
0x82: {  	v1 =	vld [tilespmem:s14+$0xFFFFFF20];
	_ =	sdelay $0x4  }
0x83: {  	v0 =	vadd.f32 v1, v0;
	_ =	sdelay $0x1  }
0x84: {  	[tilespmem:s16+$0xFFFFFF20] =	vst v0;
	v0 =	vld [tilespmem:s16+$0xFFFFFF30]  }
0x85: {  	v1 =	vld [tilespmem:s14+$0xFFFFFF30];
	_ =	sdelay $0x4  }
0x86: {  	v0 =	vadd.f32 v1, v0;
	_ =	sdelay $0x1  }
0x87: {  	[tilespmem:s16+$0xFFFFFF30] =	vst v0;
	v0 =	vld [tilespmem:s16+$0xFFFFFF40]  }
0x88: {  	v1 =	vld [tilespmem:s14+$0xFFFFFF40];
	_ =	sdelay $0x4  }
0x89: {  	v0 =	vadd.f32 v1, v0;
	_ =	sdelay $0x1  }
0x8a: {  	[tilespmem:s16+$0xFFFFFF40] =	vst v0;
	v0 =	vld [tilespmem:s16+$0xFFFFFF50]  }
0x8b: {  	v1 =	vld [tilespmem:s14+$0xFFFFFF50];
	_ =	sdelay $0x4  }
0x8c: {  	v0 =	vadd.f32 v1, v0;
	_ =	sdelay $0x1  }
0x8d: {  	[tilespmem:s16+$0xFFFFFF50] =	vst v0;
	v0 =	vld [tilespmem:s16+$0xFFFFFF60]  }
0x8e: {  	v1 =	vld [tilespmem:s14+$0xFFFFFF60];
	_ =	sdelay $0x4  }
0x8f: {  	v0 =	vadd.f32 v1, v0;
	_ =	sdelay $0x1  }
0x90: {  	[tilespmem:s16+$0xFFFFFF60] =	vst v0;
	v0 =	vld [tilespmem:s16+$0xFFFFFF70]  }
0x91: {  	v1 =	vld [tilespmem:s14+$0xFFFFFF70];
	_ =	sdelay $0x4  }
0x92: {  	v0 =	vadd.f32 v1, v0;
	_ =	sdelay $0x1  }
0x93: {  	[tilespmem:s16+$0xFFFFFF70] =	vst v0;
	v0 =	vld [tilespmem:s16+$0xFFFFFF80]  }
0x94: {  	v1 =	vld [tilespmem:s14+$0xFFFFFF80];
	_ =	sdelay $0x4  }
0x95: {  	v0 =	vadd.f32 v1, v0;
	_ =	sdelay $0x1  }
0x96: {  	[tilespmem:s16+$0xFFFFFF80] =	vst v0;
	v0 =	vld [tilespmem:s16+$0xFFFFFF90]  }
0x97: {  	v1 =	vld [tilespmem:s14+$0xFFFFFF90];
	_ =	sdelay $0x4  }
0x98: {  	v0 =	vadd.f32 v1, v0;
	_ =	sdelay $0x1  }
0x99: {  	[tilespmem:s16+$0xFFFFFF90] =	vst v0;
	v0 =	vld [tilespmem:s16+$0xFFFFFFA0]  }
0x9a: {  	v1 =	vld [tilespmem:s14+$0xFFFFFFA0];
	_ =	sdelay $0x4  }
0x9b: {  	v0 =	vadd.f32 v1, v0;
	_ =	sdelay $0x1  }
0x9c: {  	[tilespmem:s16+$0xFFFFFFA0] =	vst v0;
	v0 =	vld [tilespmem:s16+$0xFFFFFFB0]  }
0x9d: {  	v1 =	vld [tilespmem:s14+$0xFFFFFFB0];
	_ =	sdelay $0x4  }
0x9e: {  	v0 =	vadd.f32 v1, v0;
	_ =	sdelay $0x1  }
0x9f: {  	[tilespmem:s16+$0xFFFFFFB0] =	vst v0;
	v0 =	vld [tilespmem:s16+$0xFFFFFFC0]  }
0xa0: {  	v1 =	vld [tilespmem:s14+$0xFFFFFFC0];
	_ =	sdelay $0x4  }
0xa1: {  	v0 =	vadd.f32 v1, v0;
	_ =	sdelay $0x1  }
0xa2: {  	[tilespmem:s16+$0xFFFFFFC0] =	vst v0;
	v0 =	vld [tilespmem:s16+$0xFFFFFFD0]  }
0xa3: {  	v1 =	vld [tilespmem:s14+$0xFFFFFFD0];
	_ =	sdelay $0x4  }
0xa4: {  	v0 =	vadd.f32 v1, v0;
	_ =	sdelay $0x1  }
0xa5: {  	[tilespmem:s16+$0xFFFFFFD0] =	vst v0;
	v0 =	vld [tilespmem:s16+$0xFFFFFFE0]  }
0xa6: {  	v1 =	vld [tilespmem:s14+$0xFFFFFFE0];
	_ =	sdelay $0x4  }
0xa7: {  	v0 =	vadd.f32 v1, v0;
	_ =	sdelay $0x1  }
0xa8: {  	[tilespmem:s16+$0xFFFFFFE0] =	vst v0;
	v0 =	vld [tilespmem:s16+$0xFFFFFFF0]  }
0xa9: {  	v1 =	vld [tilespmem:s14+$0xFFFFFFF0];
	_ =	sdelay $0x4  }
0xaa: {  	v0 =	vadd.f32 v1, v0;
	_ =	sdelay $0x1  }
0xab: {  	[tilespmem:s16+$0xFFFFFFF0] =	vst v0;
	v0 =	vld [tilespmem:s16+$0x0]  }
0xac: {  	v1 =	vld [tilespmem:s14+$0x0];
	_ =	sdelay $0x4  }
0xad: {  	v0 =	vadd.f32 v1, v0;
	_ =	sdelay $0x1  }
0xae: {  	[tilespmem:s16+$0x0] =	vst v0;
	v0 =	vld [tilespmem:s16+$0x10]  }
0xaf: {  	v1 =	vld [tilespmem:s14+$0x10];
	_ =	sdelay $0x4  }
0xb0: {  	v0 =	vadd.f32 v1, v0;
	_ =	sdelay $0x1  }
0xb1: {  	[tilespmem:s16+$0x10] =	vst v0;
	v0 =	vld [tilespmem:s16+$0x20]  }
0xb2: {  	v1 =	vld [tilespmem:s14+$0x20];
	_ =	sdelay $0x4  }
0xb3: {  	v0 =	vadd.f32 v1, v0;
	_ =	sdelay $0x1  }
0xb4: {  	[tilespmem:s16+$0x20] =	vst v0;
	v0 =	vld [tilespmem:s16+$0x30]  }
0xb5: {  	v1 =	vld [tilespmem:s14+$0x30];
	_ =	sdelay $0x4  }
0xb6: {  	v0 =	vadd.f32 v1, v0;
	_ =	sdelay $0x1  }
0xb7: {  	[tilespmem:s16+$0x30] =	vst v0;
	v0 =	vld [tilespmem:s16+$0x40]  }
0xb8: {  	v1 =	vld [tilespmem:s14+$0x40];
	_ =	sdelay $0x4  }
0xb9: {  	v0 =	vadd.f32 v1, v0;
	_ =	sdelay $0x1  }
0xba: {  	[tilespmem:s16+$0x40] =	vst v0;
	v0 =	vld [tilespmem:s16+$0x50]  }
0xbb: {  	v1 =	vld [tilespmem:s14+$0x50];
	_ =	sdelay $0x4  }
0xbc: {  	v0 =	vadd.f32 v1, v0;
	_ =	sdelay $0x1  }
0xbd: {  	[tilespmem:s16+$0x50] =	vst v0;
	v0 =	vld [tilespmem:s16+$0x60]  }
0xbe: {  	v1 =	vld [tilespmem:s14+$0x60];
	_ =	sdelay $0x4  }
0xbf: {  	v0 =	vadd.f32 v1, v0;
	_ =	sdelay $0x1  }
0xc0: {  	[tilespmem:s16+$0x60] =	vst v0;
	v0 =	vld [tilespmem:s16+$0x70]  }
0xc1: {  	v1 =	vld [tilespmem:s14+$0x70];
	_ =	sdelay $0x4  }
0xc2: {  	v0 =	vadd.f32 v1, v0;
	_ =	sdelay $0x1  }
0xc3: {  	[tilespmem:s16+$0x70] =	vst v0;
	v0 =	vld [tilespmem:s16+$0x80]  }
0xc4: {  	v1 =	vld [tilespmem:s14+$0x80];
	_ =	sdelay $0x4  }
0xc5: {  	v0 =	vadd.f32 v1, v0;
	_ =	sdelay $0x1  }
0xc6: {  	[tilespmem:s16+$0x80] =	vst v0;
	v0 =	vld [tilespmem:s16+$0x90]  }
0xc7: {  	v1 =	vld [tilespmem:s14+$0x90];
	_ =	sdelay $0x4  }
0xc8: {  	v0 =	vadd.f32 v1, v0;
	_ =	sdelay $0x1  }
0xc9: {  	[tilespmem:s16+$0x90] =	vst v0;
	v0 =	vld [tilespmem:s16+$0xA0]  }
0xca: {  	v1 =	vld [tilespmem:s14+$0xA0];
	_ =	sdelay $0x4  }
0xcb: {  	v0 =	vadd.f32 v1, v0;
	_ =	sdelay $0x1  }
0xcc: {  	[tilespmem:s16+$0xA0] =	vst v0;
	v0 =	vld [tilespmem:s16+$0xB0]  }
0xcd: {  	v1 =	vld [tilespmem:s14+$0xB0];
	_ =	sdelay $0x4  }
0xce: {  	v0 =	vadd.f32 v1, v0;
	_ =	sdelay $0x1  }
0xcf: {  	[tilespmem:s16+$0xB0] =	vst v0;
	v0 =	vld [tilespmem:s16+$0xC0]  }
0xd0: {  	v1 =	vld [tilespmem:s14+$0xC0];
	_ =	sdelay $0x4  }
0xd1: {  	v0 =	vadd.f32 v1, v0;
	_ =	sdelay $0x1  }
0xd2: {  	[tilespmem:s16+$0xC0] =	vst v0;
	v0 =	vld [tilespmem:s16+$0xD0]  }
0xd3: {  	v1 =	vld [tilespmem:s14+$0xD0];
	_ =	sdelay $0x4  }
0xd4: {  	v0 =	vadd.f32 v1, v0;
	_ =	sdelay $0x1  }
0xd5: {  	[tilespmem:s16+$0xD0] =	vst v0;
	v0 =	vld [tilespmem:s16+$0xE0]  }
0xd6: {  	v1 =	vld [tilespmem:s14+$0xE0];
	_ =	sdelay $0x4  }
0xd7: {  	v0 =	vadd.f32 v1, v0;
	_ =	sdelay $0x1  }
0xd8: {  	[tilespmem:s16+$0xE0] =	vst v0;
	v0 =	vld [tilespmem:s16+$0xF0]  }
0xd9: {  	v1 =	vld [tilespmem:s14+$0xF0];
	_ =	sdelay $0x1  }
.Ltmp0:
0xda: {  	(pc) =	sbr.rel @p0 .LBB2_2-.Ltmp0, $3  }
0xdb: {  	_ =	sdelay $0x1  }
0xdc: {  	v0 =	vadd.f32 v1, v0  }
0xdd: {  	s16 =	sadd.s32 $0x200, s16  }
0xde: {  	s12 =	sadd.s32 $0x1, s12  }
0xdf: {  	p0 =	sne.s32 s12, s7  }
.Ltmp1:
0xe0: {  	[tilespmem:s13+$0xF0] =	vst v0;
	(pc) =	sbr.rel @p0 .LBB2_1-.Ltmp1, $4  }
0xe1: {  	[hbm4b:s6+s2] =	stream.linear.scatter [tilespmem:s9], [sflag:$0x2], $0x8000, $0x38;
	[tilespmem:$0x10200] =	vst v63  }
0xe2: {  	_ =	swait.ge [sflag:s8], $0x8000  }
0xe3: {  	[sflag:s8] =	ssyncset.done $0x0  }
0xe4: {  	[sflag:s8] =	ssyncadd.s32 $0xFFFF8000  }
0xe5: {  	_ =	sfence.sel $0x180000  }
0xe6: {  	[bflag:$0x0] =	sbarrier.arrive $0xFFFF  }
0xe7: {  	p0 =	sne.s32 s1, $0x0;
	_ =	strace $0x9000004A  }
0xe8: {  	s0 =	sadd.s32 @!p0 $0x100000, s0;
	[bflag:$0x2] =	sbarrier.arrive $0xFFFF  }
0xe9: {  	[sflag:s0] =	ssyncadd.tile.s32 @!p0 $0x1;
	_ =	shalt  }
.Lfunc_end2:
_tile_overlayer_lowered:
.L_overlay_start_2:
0xea: {  	(tag) =	ssettag $0x2  }
0xeb: {  	s0 =	rddreg [dreg:$0x0];
	s2 =	stileid.u32  }
0xec: {  	s1 =	rddreg [dreg:$0x1];
	p0 =	sne.s32 s2, $0x0  }
0xed: {  	s3 =	rddreg [dreg:$0x2];
	[bflag:$0x3] =	sbarrier.arrive $0xFFFF;
	s2 =	simm.s32 @!p0 $0x1C02  }
0xee: {  	[timem:s3], [sflag:s2] =	dma.local @!p0 [hbm:s0], s1  }
0xef: {  	s0 =	simm.s32 @!p0 $0x2  }
0xf0: {  	_ =	swait.ge @!p0 [sflag:s0], s1  }
0xf1: {  	s1 =	ssub.s32 @!p0 $0x0, s1;
	[sflag:s0] =	ssyncset.done @!p0 $0x0  }
0xf2: {  	[sflag:s0] =	ssyncadd.s32 @!p0 s1  }
0xf3: {  	[bflag:$0x3] =	sbarrier.arrive $0xFFFF  }
0xf4: {  	_ =	shalt  }

</sc_bundles>
